<compile_context>
chip_gen: v7x
topology: tpu7x:2x2x1
jax: 0.10.2.dev20260603
libtpu: 0.0.44.dev20260713+nightly
codegen_flags: <defaults>
</compile_context>

<pallas_src>
import functools

import jax
import jax.numpy as jnp
from jax import lax
from jax.experimental import pallas as pl
from jax.experimental.pallas import tpu as pltpu
from jax.experimental.pallas import tpu_sc as plsc

_N = 10000
_E = 320000
_D = 128
_NC = 2
_NS = 16
_NW = _NC * _NS
_EPT = _E // _NW
_C = 80
_NCHUNK = _EPT // _C
_RPT = 624
_RTAIL = _N - _RPT * _NS

_mesh = plsc.VectorSubcoreMesh(core_axis_name="c", subcore_axis_name="s")


@functools.partial(
    pl.kernel,
    out_type=jax.ShapeDtypeStruct((_NC * _N, _D), jnp.float32),
    mesh=_mesh,
    scratch_types=[
        pltpu.VMEM((_EPT,), jnp.int32),
        pltpu.VMEM((_NCHUNK, _C), jnp.int32),
        pltpu.VMEM((_C, _D), jnp.float32),
        pltpu.VMEM((_C, _D), jnp.float32),
        pltpu.VMEM_SHARED((_N, _D), jnp.float32),
        pltpu.SemaphoreType.DMA,
        pltpu.SemaphoreType.DMA,
        pltpu.SemaphoreType.DMA,
        pltpu.SemaphoreType.DMA,
        pltpu.SemaphoreType.DMA,
        pltpu.SemaphoreType.DMA,
    ],
)
def _sc_segment_sum(x_hbm, src_hbm, dst_hbm, zeros_hbm, out_hbm,
                    src_v, dst_v, rows0, rows1, acc,
                    g00, g01, g10, g11, ss0, ss1):
    cid = lax.axis_index("c")
    sid = lax.axis_index("s")
    wid = sid * _NC + cid
    row_lo = sid * _RPT
    pltpu.sync_copy(src_hbm.at[pl.ds(wid * _EPT, _EPT)], src_v)
    pltpu.sync_copy(dst_hbm.at[wid], dst_v)
    pltpu.sync_copy(zeros_hbm.at[pl.ds(row_lo, _RPT)],
                    acc.at[pl.ds(row_lo, _RPT)])

    @pl.when(sid == _NS - 1)
    def _zero_tail():
        pltpu.sync_copy(zeros_hbm.at[pl.ds(_RPT * _NS, _RTAIL)],
                        acc.at[pl.ds(_RPT * _NS, _RTAIL)])

    plsc.subcore_barrier()

    _H = _C // 2

    def _gather(k, h, buf, sem):
        idx = src_v.at[pl.ds(k * _C + h * _H, _H)]
        return pltpu.async_copy(x_hbm.at[idx], buf.at[pl.ds(h * _H, _H)], sem)

    def _gwait(k, h, buf, sem):
        idx = src_v.at[pl.ds(k * _C + h * _H, _H)]
        pltpu.make_async_copy(x_hbm.at[idx], buf.at[pl.ds(h * _H, _H)],
                              sem).wait()

    _gather(0, 0, rows0, g00)
    _gather(0, 1, rows0, g01)
    _gather(1, 0, rows1, g10)
    _gather(1, 1, rows1, g11)
    npair = _NCHUNK // 2

    def body(p, carry):
        a = 2 * p
        _gwait(a, 0, rows0, g00)
        _gwait(a, 1, rows0, g01)
        pltpu.async_copy(rows0, acc.at[dst_v.at[a]], ss0, add=True)
        _gwait(a + 1, 0, rows1, g10)
        _gwait(a + 1, 1, rows1, g11)
        pltpu.async_copy(rows1, acc.at[dst_v.at[a + 1]], ss1, add=True)
        pltpu.make_async_copy(rows0, acc.at[dst_v.at[a]], ss0).wait()
        _gather(a + 2, 0, rows0, g00)
        _gather(a + 2, 1, rows0, g01)

        @pl.when(p < npair - 1)
        def _refill1():
            pltpu.make_async_copy(rows1, acc.at[dst_v.at[a]], ss1).wait()
            _gather(a + 3, 0, rows1, g10)
            _gather(a + 3, 1, rows1, g11)

        return carry

    lax.fori_loop(0, npair, body, 0)
    last = _NCHUNK - 1
    _gwait(last, 0, rows0, g00)
    _gwait(last, 1, rows0, g01)
    pltpu.async_copy(rows0, acc.at[dst_v.at[last]], ss0, add=True)
    pltpu.make_async_copy(rows1, acc.at[dst_v.at[0]], ss1).wait()
    pltpu.make_async_copy(rows0, acc.at[dst_v.at[0]], ss0).wait()
    plsc.subcore_barrier()
    pltpu.sync_copy(acc.at[pl.ds(row_lo, _RPT)],
                    out_hbm.at[pl.ds(cid * _N + row_lo, _RPT)])

    @pl.when(sid == _NS - 1)
    def _write_tail():
        pltpu.sync_copy(acc.at[pl.ds(_RPT * _NS, _RTAIL)],
                        out_hbm.at[pl.ds(cid * _N + _RPT * _NS, _RTAIL)])


def _fused_linear(p0, p1, x, w_rel, w_root, b2d, relu):
    nb = 25
    bs = _N // nb

    def body(p0_ref, p1_ref, x_ref, wrel_ref, wroot_ref, b_ref, o_ref):
        agg = p0_ref[...] + p1_ref[...]
        r = jnp.dot(agg, wrel_ref[...], preferred_element_type=jnp.float32)
        r = r + jnp.dot(x_ref[...], wroot_ref[...],
                        preferred_element_type=jnp.float32)
        r = r + b_ref[...]
        if relu:
            r = jnp.maximum(r, 0.0)
        o_ref[...] = r

    return pl.pallas_call(
        body,
        grid=(nb,),
        in_specs=[
            pl.BlockSpec((bs, _D), lambda i: (i, 0)),
            pl.BlockSpec((bs, _D), lambda i: (i, 0)),
            pl.BlockSpec((bs, _D), lambda i: (i, 0)),
            pl.BlockSpec((_D, _D), lambda i: (0, 0)),
            pl.BlockSpec((_D, _D), lambda i: (0, 0)),
            pl.BlockSpec((1, _D), lambda i: (0, 0)),
        ],
        out_specs=pl.BlockSpec((bs, _D), lambda i: (i, 0)),
        out_shape=jax.ShapeDtypeStruct((_N, _D), jnp.float32),
    )(p0, p1, x, w_rel, w_root, b2d)


def kernel(x, edge_index, W1_rel, b1, W1_root, W2_rel, b2, W2_root):
    src = edge_index[0]
    dst = edge_index[1].reshape(_NW, _NCHUNK, _C)
    zeros = jnp.zeros((_N, _D), jnp.float32)
    p = _sc_segment_sum(x, src, dst, zeros)
    h = _fused_linear(p[:_N], p[_N:], x, W1_rel, W1_root,
                      b1.reshape(1, _D), relu=True)
    p2 = _sc_segment_sum(h, src, dst, zeros)
    out = _fused_linear(p2[:_N], p2[_N:], h, W2_rel, W2_root,
                        b2.reshape(1, _D), relu=False)
    return out

# --- scband reference (transcript-rebuilt; emitter-appended) ---
"""Pipeline reference for scband-gnnprocessor-25744033973010 (READ-ONLY COPY).

The authoritative reference and input builder live on the scoring server;
editing this copy changes nothing except your own understanding.
"""

import jax, jax.numpy as jnp
import numpy as np

N = 10000
E = 320000
D_IN = 128
D_HID = 128
D_OUT = 128


def setup_inputs(seed: int = 0) -> dict:
    key = jax.random.key(seed)
    ks = jax.random.split(key, 8)
    x = jax.random.normal(ks[0], (N, D_IN), dtype=jnp.float32)
    edge_index = jax.random.randint(ks[1], (2, E), 0, N, dtype=jnp.int32)
    s_in = 1.0 / np.sqrt(D_IN)
    s_hid = 1.0 / np.sqrt(D_HID)
    W1_rel = jax.random.normal(ks[2], (D_IN, D_HID), dtype=jnp.float32) * s_in
    b1 = jnp.zeros((D_HID,), dtype=jnp.float32)
    W1_root = jax.random.normal(ks[3], (D_IN, D_HID), dtype=jnp.float32) * s_in
    W2_rel = jax.random.normal(ks[4], (D_HID, D_OUT), dtype=jnp.float32) * s_hid
    b2 = jnp.zeros((D_OUT,), dtype=jnp.float32)
    W2_root = jax.random.normal(ks[5], (D_HID, D_OUT), dtype=jnp.float32) * s_hid
    return {"x": x, "edge_index": edge_index, "W1_rel": W1_rel, "b1": b1,
            "W1_root": W1_root, "W2_rel": W2_rel, "b2": b2, "W2_root": W2_root}


def _graph_conv(x, src, dst, W_rel, b, W_root):
    # PyG GraphConv (aggr='add'):
    #   out_i = lin_rel( sum_{j in N(i)} x_j ) + lin_root(x_i)
    # lin_rel carries the bias, lin_root has no bias.
    agg = jax.ops.segment_sum(x[src], dst, num_segments=N)
    return agg @ W_rel + b + x @ W_root


def reference(x, edge_index, W1_rel, b1, W1_root, W2_rel, b2, W2_root):
    src = edge_index[0]
    dst = edge_index[1]
    h = _graph_conv(x, src, dst, W1_rel, b1, W1_root)
    h = jax.nn.relu(h)
    out = _graph_conv(h, src, dst, W2_rel, b2, W2_root)
    return out

if __name__ == "__main__":
    import jax
    _d = setup_inputs()
    print(jax.jit(kernel)(*tuple(_d.values())))

</pallas_src>

<mosaic_0001>
#map = affine_map<(d0, d1) -> (0, 0)>
#map1 = affine_map<(d0, d1) -> (0)>
#map2 = affine_map<(d0, d1) -> (0, 0, 0)>
module attributes {stable_mosaic.version = 14 : i64} {
  func.func @_sc_segment_sum(%arg0: i32, %arg1: i32, %arg2: memref<10000x128xf32, #tpu.memory_space<hbm>>, %arg3: memref<320000xi32, #tpu.memory_space<hbm>>, %arg4: memref<32x125x80xi32, #tpu.memory_space<hbm>>, %arg5: memref<10000x128xf32, #tpu.memory_space<hbm>>, %arg6: memref<20000x128xf32, #tpu.memory_space<hbm>>, %arg7: memref<10000xi32, #tpu.memory_space<vmem>>, %arg8: memref<125x80xi32, #tpu.memory_space<vmem>>, %arg9: memref<80x128xf32, #tpu.memory_space<vmem>>, %arg10: memref<80x128xf32, #tpu.memory_space<vmem>>, %arg11: memref<10000x128xf32, #tpu.memory_space<vmem_shared>>, %arg12: memref<!tpu.dma_semaphore, #tpu.memory_space<semaphore_mem>>, %arg13: memref<!tpu.dma_semaphore, #tpu.memory_space<semaphore_mem>>, %arg14: memref<!tpu.dma_semaphore, #tpu.memory_space<semaphore_mem>>, %arg15: memref<!tpu.dma_semaphore, #tpu.memory_space<semaphore_mem>>, %arg16: memref<!tpu.dma_semaphore, #tpu.memory_space<semaphore_mem>>, %arg17: memref<!tpu.dma_semaphore, #tpu.memory_space<semaphore_mem>>) attributes {dimension_semantics = [#tpu.dimension_semantics<core_parallel>, #tpu.dimension_semantics<subcore_parallel>], iteration_bounds = array<i64: 2, 16>, scalar_prefetch = 0 : i64, scratch_operands = 11 : i64, tpu.core_type = #tpu.core_type<sc_vector_subcore>, window_params = [{transform_indices = #map}, {transform_indices = #map1}, {transform_indices = #map2}, {transform_indices = #map}, {transform_indices = #map}]} {
    %mul3A = arith.constant 2 : i32
    %mul3A_0 = arith.muli %arg1, %mul3A : i32
    %add3A = arith.addi %mul3A_0, %arg0 : i32
    %mul3A_1 = arith.constant 624 : i32
    %mul3A_2 = arith.muli %arg1, %mul3A_1 : i32
    %mul3A_3 = arith.constant 10000 : i32
    %mul3A_4 = arith.muli %add3A, %mul3A_3 : i32
    "tpu.region"() ({
      %run_scoped3A = tpu.sem_alloc : memref<!tpu.dma_semaphore, #tpu.memory_space<semaphore_mem>>
      %dma_start3A_88 = tpu.memref_slice %arg3[%mul3A_4] : memref<320000xi32, #tpu.memory_space<hbm>> -> memref<10000xi32, #tpu.memory_space<hbm>>
      %dma_start3A_89 = tpu.memref_slice %arg3[%mul3A_4] : memref<320000xi32, #tpu.memory_space<hbm>> -> memref<10000xi32, #tpu.memory_space<hbm>>
      tpu.enqueue_dma source(%dma_start3A_89 : memref<10000xi32, #tpu.memory_space<hbm>>) target(%arg7 : memref<10000xi32, #tpu.memory_space<vmem>>) target_semaphore(%run_scoped3A : memref<!tpu.dma_semaphore, #tpu.memory_space<semaphore_mem>>)
      %dma_wait3A_90 = tpu.memref_slice %arg3[%mul3A_4] : memref<320000xi32, #tpu.memory_space<hbm>> -> memref<10000xi32, #tpu.memory_space<hbm>>
      %dma_wait3A_91 = tpu.memref_slice %arg3[%mul3A_4] : memref<320000xi32, #tpu.memory_space<hbm>> -> memref<10000xi32, #tpu.memory_space<hbm>>
      tpu.wait_dma2 semaphore(%run_scoped3A : memref<!tpu.dma_semaphore, #tpu.memory_space<semaphore_mem>>) src(%dma_wait3A_91 : memref<10000xi32, #tpu.memory_space<hbm>>) dst(%arg7 : memref<10000xi32, #tpu.memory_space<vmem>>)
      tpu.yield
    }) : () -> ()
    "tpu.region"() ({
      %run_scoped3A = tpu.sem_alloc : memref<!tpu.dma_semaphore, #tpu.memory_space<semaphore_mem>>
      %dma_start3A_88 = arith.constant 0 : i32
      %dma_start3A_89 = arith.constant 0 : i32
      %dma_start3A_90 = tpu.memref_slice %arg4[%add3A, %dma_start3A_88, %dma_start3A_89] : memref<32x125x80xi32, #tpu.memory_space<hbm>> -> memref<1x125x80xi32, #tpu.memory_space<hbm>>
      %dma_start3A_91 = tpu.memref_squeeze %dma_start3A_90 : memref<1x125x80xi32, #tpu.memory_space<hbm>> -> memref<125x80xi32, #tpu.memory_space<hbm>>
      %dma_start3A_92 = arith.constant 0 : i32
      %dma_start3A_93 = arith.constant 0 : i32
      %dma_start3A_94 = tpu.memref_slice %arg4[%add3A, %dma_start3A_92, %dma_start3A_93] : memref<32x125x80xi32, #tpu.memory_space<hbm>> -> memref<1x125x80xi32, #tpu.memory_space<hbm>>
      %dma_start3A_95 = tpu.memref_squeeze %dma_start3A_94 : memref<1x125x80xi32, #tpu.memory_space<hbm>> -> memref<125x80xi32, #tpu.memory_space<hbm>>
      tpu.enqueue_dma source(%dma_start3A_95 : memref<125x80xi32, #tpu.memory_space<hbm>>) target(%arg8 : memref<125x80xi32, #tpu.memory_space<vmem>>) target_semaphore(%run_scoped3A : memref<!tpu.dma_semaphore, #tpu.memory_space<semaphore_mem>>)
      %dma_wait3A_96 = arith.constant 0 : i32
      %dma_wait3A_97 = arith.constant 0 : i32
      %dma_wait3A_98 = tpu.memref_slice %arg4[%add3A, %dma_wait3A_96, %dma_wait3A_97] : memref<32x125x80xi32, #tpu.memory_space<hbm>> -> memref<1x125x80xi32, #tpu.memory_space<hbm>>
      %dma_wait3A_99 = tpu.memref_squeeze %dma_wait3A_98 : memref<1x125x80xi32, #tpu.memory_space<hbm>> -> memref<125x80xi32, #tpu.memory_space<hbm>>
      %dma_wait3A_100 = arith.constant 0 : i32
      %dma_wait3A_101 = arith.constant 0 : i32
      %dma_wait3A_102 = tpu.memref_slice %arg4[%add3A, %dma_wait3A_100, %dma_wait3A_101] : memref<32x125x80xi32, #tpu.memory_space<hbm>> -> memref<1x125x80xi32, #tpu.memory_space<hbm>>
      %dma_wait3A_103 = tpu.memref_squeeze %dma_wait3A_102 : memref<1x125x80xi32, #tpu.memory_space<hbm>> -> memref<125x80xi32, #tpu.memory_space<hbm>>
      tpu.wait_dma2 semaphore(%run_scoped3A : memref<!tpu.dma_semaphore, #tpu.memory_space<semaphore_mem>>) src(%dma_wait3A_103 : memref<125x80xi32, #tpu.memory_space<hbm>>) dst(%arg8 : memref<125x80xi32, #tpu.memory_space<vmem>>)
      tpu.yield
    }) : () -> ()
    "tpu.region"() ({
      %run_scoped3A = tpu.sem_alloc : memref<!tpu.dma_semaphore, #tpu.memory_space<semaphore_mem>>
      %dma_start3A_88 = arith.constant 0 : i32
      %dma_start3A_89 = tpu.memref_slice %arg11[%mul3A_2, %dma_start3A_88] : memref<10000x128xf32, #tpu.memory_space<vmem_shared>> -> memref<624x128xf32, #tpu.memory_space<vmem_shared>>
      %dma_start3A_90 = arith.constant 0 : i32
      %dma_start3A_91 = tpu.memref_slice %arg5[%mul3A_2, %dma_start3A_90] : memref<10000x128xf32, #tpu.memory_space<hbm>> -> memref<624x128xf32, #tpu.memory_space<hbm>>
      tpu.enqueue_dma source(%dma_start3A_91 : memref<624x128xf32, #tpu.memory_space<hbm>>) target(%dma_start3A_89 : memref<624x128xf32, #tpu.memory_space<vmem_shared>>) target_semaphore(%run_scoped3A : memref<!tpu.dma_semaphore, #tpu.memory_space<semaphore_mem>>)
      %dma_wait3A_92 = arith.constant 0 : i32
      %dma_wait3A_93 = tpu.memref_slice %arg11[%mul3A_2, %dma_wait3A_92] : memref<10000x128xf32, #tpu.memory_space<vmem_shared>> -> memref<624x128xf32, #tpu.memory_space<vmem_shared>>
      %dma_wait3A_94 = arith.constant 0 : i32
      %dma_wait3A_95 = tpu.memref_slice %arg5[%mul3A_2, %dma_wait3A_94] : memref<10000x128xf32, #tpu.memory_space<hbm>> -> memref<624x128xf32, #tpu.memory_space<hbm>>
      tpu.wait_dma2 semaphore(%run_scoped3A : memref<!tpu.dma_semaphore, #tpu.memory_space<semaphore_mem>>) src(%dma_wait3A_95 : memref<624x128xf32, #tpu.memory_space<hbm>>) dst(%dma_wait3A_93 : memref<624x128xf32, #tpu.memory_space<vmem_shared>>)
      tpu.yield
    }) : () -> ()
    %eq3A = arith.constant 15 : i32
    %eq3A_5 = arith.cmpi eq, %arg1, %eq3A : i32
    %convert_element_type3A = arith.extui %eq3A_5 : i1 to i32
    %cond3A = arith.constant 0 : i32
    %cond3A_6 = arith.cmpi ne, %convert_element_type3A, %cond3A : i32
    scf.if %cond3A_6 {
      "tpu.region"() ({
        %run_scoped3A = tpu.sem_alloc : memref<!tpu.dma_semaphore, #tpu.memory_space<semaphore_mem>>
        %dma_start3A_88 = arith.constant 9984 : i32
        %dma_start3A_89 = arith.constant 0 : i32
        %dma_start3A_90 = tpu.memref_slice %arg11[%dma_start3A_88, %dma_start3A_89] : memref<10000x128xf32, #tpu.memory_space<vmem_shared>> -> memref<16x128xf32, #tpu.memory_space<vmem_shared>>
        %dma_start3A_91 = arith.constant 9984 : i32
        %dma_start3A_92 = arith.constant 0 : i32
        %dma_start3A_93 = tpu.memref_slice %arg5[%dma_start3A_91, %dma_start3A_92] : memref<10000x128xf32, #tpu.memory_space<hbm>> -> memref<16x128xf32, #tpu.memory_space<hbm>>
        tpu.enqueue_dma source(%dma_start3A_93 : memref<16x128xf32, #tpu.memory_space<hbm>>) target(%dma_start3A_90 : memref<16x128xf32, #tpu.memory_space<vmem_shared>>) target_semaphore(%run_scoped3A : memref<!tpu.dma_semaphore, #tpu.memory_space<semaphore_mem>>)
        %dma_wait3A_94 = arith.constant 9984 : i32
        %dma_wait3A_95 = arith.constant 0 : i32
        %dma_wait3A_96 = tpu.memref_slice %arg11[%dma_wait3A_94, %dma_wait3A_95] : memref<10000x128xf32, #tpu.memory_space<vmem_shared>> -> memref<16x128xf32, #tpu.memory_space<vmem_shared>>
        %dma_wait3A_97 = arith.constant 9984 : i32
        %dma_wait3A_98 = arith.constant 0 : i32
        %dma_wait3A_99 = tpu.memref_slice %arg5[%dma_wait3A_97, %dma_wait3A_98] : memref<10000x128xf32, #tpu.memory_space<hbm>> -> memref<16x128xf32, #tpu.memory_space<hbm>>
        tpu.wait_dma2 semaphore(%run_scoped3A : memref<!tpu.dma_semaphore, #tpu.memory_space<semaphore_mem>>) src(%dma_wait3A_99 : memref<16x128xf32, #tpu.memory_space<hbm>>) dst(%dma_wait3A_96 : memref<16x128xf32, #tpu.memory_space<vmem_shared>>)
        tpu.yield
      }) : () -> ()
    } else {
    }
    %barrier3A = arith.constant 0 : index
    tpu.barrier barrier_id(%barrier3A)
    %dma_start3A = arith.constant 0 : i32
    %dma_start3A_7 = arith.constant 0 : i32
    %dma_start3A_8 = tpu.memref_slice %arg9[%dma_start3A, %dma_start3A_7] : memref<80x128xf32, #tpu.memory_space<vmem>> -> memref<40x128xf32, #tpu.memory_space<vmem>>
    %dma_start3A_9 = arith.constant 0 : i32
    %dma_start3A_10 = tpu.memref_slice %arg7[%dma_start3A_9] : memref<10000xi32, #tpu.memory_space<vmem>> -> memref<40xi32, #tpu.memory_space<vmem>>
    %dma_start3A_11 = arith.constant 0 : i32
    %dma_start3A_12 = arith.constant 0 : i32
    %dma_start3A_13 = tpu.memref_slice %arg2[%dma_start3A_11, %dma_start3A_12] : memref<10000x128xf32, #tpu.memory_space<hbm>> -> memref<10000x128xf32, #tpu.memory_space<hbm>>
    tpu.enqueue_indirect_dma source(%dma_start3A_13 : memref<10000x128xf32, #tpu.memory_space<hbm>>) target(%dma_start3A_8 : memref<40x128xf32, #tpu.memory_space<vmem>>) offsets(%dma_start3A_10 : memref<40xi32, #tpu.memory_space<vmem>>) semaphore(%arg12 : memref<!tpu.dma_semaphore, #tpu.memory_space<semaphore_mem>>)
    %dma_start3A_14 = arith.constant 40 : i32
    %dma_start3A_15 = arith.constant 0 : i32
    %dma_start3A_16 = tpu.memref_slice %arg9[%dma_start3A_14, %dma_start3A_15] : memref<80x128xf32, #tpu.memory_space<vmem>> -> memref<40x128xf32, #tpu.memory_space<vmem>>
    %dma_start3A_17 = arith.constant 40 : i32
    %dma_start3A_18 = tpu.memref_slice %arg7[%dma_start3A_17] : memref<10000xi32, #tpu.memory_space<vmem>> -> memref<40xi32, #tpu.memory_space<vmem>>
    %dma_start3A_19 = arith.constant 0 : i32
    %dma_start3A_20 = arith.constant 0 : i32
    %dma_start3A_21 = tpu.memref_slice %arg2[%dma_start3A_19, %dma_start3A_20] : memref<10000x128xf32, #tpu.memory_space<hbm>> -> memref<10000x128xf32, #tpu.memory_space<hbm>>
    tpu.enqueue_indirect_dma source(%dma_start3A_21 : memref<10000x128xf32, #tpu.memory_space<hbm>>) target(%dma_start3A_16 : memref<40x128xf32, #tpu.memory_space<vmem>>) offsets(%dma_start3A_18 : memref<40xi32, #tpu.memory_space<vmem>>) semaphore(%arg13 : memref<!tpu.dma_semaphore, #tpu.memory_space<semaphore_mem>>)
    %dma_start3A_22 = arith.constant 0 : i32
    %dma_start3A_23 = arith.constant 0 : i32
    %dma_start3A_24 = tpu.memref_slice %arg10[%dma_start3A_22, %dma_start3A_23] : memref<80x128xf32, #tpu.memory_space<vmem>> -> memref<40x128xf32, #tpu.memory_space<vmem>>
    %dma_start3A_25 = arith.constant 80 : i32
    %dma_start3A_26 = tpu.memref_slice %arg7[%dma_start3A_25] : memref<10000xi32, #tpu.memory_space<vmem>> -> memref<40xi32, #tpu.memory_space<vmem>>
    %dma_start3A_27 = arith.constant 0 : i32
    %dma_start3A_28 = arith.constant 0 : i32
    %dma_start3A_29 = tpu.memref_slice %arg2[%dma_start3A_27, %dma_start3A_28] : memref<10000x128xf32, #tpu.memory_space<hbm>> -> memref<10000x128xf32, #tpu.memory_space<hbm>>
    tpu.enqueue_indirect_dma source(%dma_start3A_29 : memref<10000x128xf32, #tpu.memory_space<hbm>>) target(%dma_start3A_24 : memref<40x128xf32, #tpu.memory_space<vmem>>) offsets(%dma_start3A_26 : memref<40xi32, #tpu.memory_space<vmem>>) semaphore(%arg14 : memref<!tpu.dma_semaphore, #tpu.memory_space<semaphore_mem>>)
    %dma_start3A_30 = arith.constant 40 : i32
    %dma_start3A_31 = arith.constant 0 : i32
    %dma_start3A_32 = tpu.memref_slice %arg10[%dma_start3A_30, %dma_start3A_31] : memref<80x128xf32, #tpu.memory_space<vmem>> -> memref<40x128xf32, #tpu.memory_space<vmem>>
    %dma_start3A_33 = arith.constant 120 : i32
    %dma_start3A_34 = tpu.memref_slice %arg7[%dma_start3A_33] : memref<10000xi32, #tpu.memory_space<vmem>> -> memref<40xi32, #tpu.memory_space<vmem>>
    %dma_start3A_35 = arith.constant 0 : i32
    %dma_start3A_36 = arith.constant 0 : i32
    %dma_start3A_37 = tpu.memref_slice %arg2[%dma_start3A_35, %dma_start3A_36] : memref<10000x128xf32, #tpu.memory_space<hbm>> -> memref<10000x128xf32, #tpu.memory_space<hbm>>
    tpu.enqueue_indirect_dma source(%dma_start3A_37 : memref<10000x128xf32, #tpu.memory_space<hbm>>) target(%dma_start3A_32 : memref<40x128xf32, #tpu.memory_space<vmem>>) offsets(%dma_start3A_34 : memref<40xi32, #tpu.memory_space<vmem>>) semaphore(%arg15 : memref<!tpu.dma_semaphore, #tpu.memory_space<semaphore_mem>>)
    %scan3A = arith.constant 0 : i32
    %scan3A_38 = arith.constant 0 : i32
    %scan3A_39 = arith.constant 62 : i32
    %scan3A_40 = arith.addi %scan3A_38, %scan3A_39 : i32
    %scan3A_41 = arith.constant 1 : i32
    scf.for %scan3A_88 = %scan3A_38 to %scan3A_40 step %scan3A_41  : i32 {
      %mul3A_89 = arith.constant 2 : i32
      %mul3A_90 = arith.muli %mul3A_89, %scan3A_88 : i32
      %mul3A_91 = arith.constant 80 : i32
      %mul3A_92 = arith.muli %mul3A_90, %mul3A_91 : i32
      %add3A_93 = arith.constant 0 : i32
      %add3A_94 = arith.addi %mul3A_92, %add3A_93 : i32
      %dma_wait3A_95 = arith.constant 0 : i32
      %dma_wait3A_96 = arith.constant 0 : i32
      %dma_wait3A_97 = tpu.memref_slice %arg9[%dma_wait3A_95, %dma_wait3A_96] : memref<80x128xf32, #tpu.memory_space<vmem>> -> memref<40x128xf32, #tpu.memory_space<vmem>>
      %dma_wait3A_98 = tpu.memref_slice %arg7[%add3A_94] : memref<10000xi32, #tpu.memory_space<vmem>> -> memref<40xi32, #tpu.memory_space<vmem>>
      %dma_wait3A_99 = arith.constant 0 : i32
      %dma_wait3A_100 = arith.constant 0 : i32
      %dma_wait3A_101 = tpu.memref_slice %arg2[%dma_wait3A_99, %dma_wait3A_100] : memref<10000x128xf32, #tpu.memory_space<hbm>> -> memref<10000x128xf32, #tpu.memory_space<hbm>>
      tpu.wait_indirect_dma semaphore(%arg12 : memref<!tpu.dma_semaphore, #tpu.memory_space<semaphore_mem>>) src(%dma_wait3A_101 : memref<10000x128xf32, #tpu.memory_space<hbm>>) dst(%dma_wait3A_97 : memref<40x128xf32, #tpu.memory_space<vmem>>)
      %mul3A_102 = arith.constant 80 : i32
      %mul3A_103 = arith.muli %mul3A_90, %mul3A_102 : i32
      %add3A_104 = arith.constant 40 : i32
      %add3A_105 = arith.addi %mul3A_103, %add3A_104 : i32
      %dma_wait3A_106 = arith.constant 40 : i32
      %dma_wait3A_107 = arith.constant 0 : i32
      %dma_wait3A_108 = tpu.memref_slice %arg9[%dma_wait3A_106, %dma_wait3A_107] : memref<80x128xf32, #tpu.memory_space<vmem>> -> memref<40x128xf32, #tpu.memory_space<vmem>>
      %dma_wait3A_109 = tpu.memref_slice %arg7[%add3A_105] : memref<10000xi32, #tpu.memory_space<vmem>> -> memref<40xi32, #tpu.memory_space<vmem>>
      %dma_wait3A_110 = arith.constant 0 : i32
      %dma_wait3A_111 = arith.constant 0 : i32
      %dma_wait3A_112 = tpu.memref_slice %arg2[%dma_wait3A_110, %dma_wait3A_111] : memref<10000x128xf32, #tpu.memory_space<hbm>> -> memref<10000x128xf32, #tpu.memory_space<hbm>>
      tpu.wait_indirect_dma semaphore(%arg13 : memref<!tpu.dma_semaphore, #tpu.memory_space<semaphore_mem>>) src(%dma_wait3A_112 : memref<10000x128xf32, #tpu.memory_space<hbm>>) dst(%dma_wait3A_108 : memref<40x128xf32, #tpu.memory_space<vmem>>)
      %dma_start3A_113 = arith.constant 0 : i32
      %dma_start3A_114 = tpu.memref_slice %arg8[%mul3A_90, %dma_start3A_113] : memref<125x80xi32, #tpu.memory_space<vmem>> -> memref<1x80xi32, #tpu.memory_space<vmem>>
      %dma_start3A_115 = tpu.memref_squeeze %dma_start3A_114 : memref<1x80xi32, #tpu.memory_space<vmem>> -> memref<80xi32, #tpu.memory_space<vmem>>
      %dma_start3A_116 = arith.constant 0 : i32
      %dma_start3A_117 = arith.constant 0 : i32
      %dma_start3A_118 = tpu.memref_slice %arg11[%dma_start3A_116, %dma_start3A_117] : memref<10000x128xf32, #tpu.memory_space<vmem_shared>> -> memref<10000x128xf32, #tpu.memory_space<vmem_shared>>
      tpu.enqueue_indirect_dma source(%arg9 : memref<80x128xf32, #tpu.memory_space<vmem>>) target(%dma_start3A_118 : memref<10000x128xf32, #tpu.memory_space<vmem_shared>>) offsets(%dma_start3A_115 : memref<80xi32, #tpu.memory_space<vmem>>) semaphore(%arg16 : memref<!tpu.dma_semaphore, #tpu.memory_space<semaphore_mem>>) {add = true}
      %add3A_119 = arith.constant 1 : i32
      %add3A_120 = arith.addi %mul3A_90, %add3A_119 : i32
      %mul3A_121 = arith.constant 80 : i32
      %mul3A_122 = arith.muli %add3A_120, %mul3A_121 : i32
      %add3A_123 = arith.constant 0 : i32
      %add3A_124 = arith.addi %mul3A_122, %add3A_123 : i32
      %dma_wait3A_125 = arith.constant 0 : i32
      %dma_wait3A_126 = arith.constant 0 : i32
      %dma_wait3A_127 = tpu.memref_slice %arg10[%dma_wait3A_125, %dma_wait3A_126] : memref<80x128xf32, #tpu.memory_space<vmem>> -> memref<40x128xf32, #tpu.memory_space<vmem>>
      %dma_wait3A_128 = tpu.memref_slice %arg7[%add3A_124] : memref<10000xi32, #tpu.memory_space<vmem>> -> memref<40xi32, #tpu.memory_space<vmem>>
      %dma_wait3A_129 = arith.constant 0 : i32
      %dma_wait3A_130 = arith.constant 0 : i32
      %dma_wait3A_131 = tpu.memref_slice %arg2[%dma_wait3A_129, %dma_wait3A_130] : memref<10000x128xf32, #tpu.memory_space<hbm>> -> memref<10000x128xf32, #tpu.memory_space<hbm>>
      tpu.wait_indirect_dma semaphore(%arg14 : memref<!tpu.dma_semaphore, #tpu.memory_space<semaphore_mem>>) src(%dma_wait3A_131 : memref<10000x128xf32, #tpu.memory_space<hbm>>) dst(%dma_wait3A_127 : memref<40x128xf32, #tpu.memory_space<vmem>>)
      %add3A_132 = arith.constant 1 : i32
      %add3A_133 = arith.addi %mul3A_90, %add3A_132 : i32
      %mul3A_134 = arith.constant 80 : i32
      %mul3A_135 = arith.muli %add3A_133, %mul3A_134 : i32
      %add3A_136 = arith.constant 40 : i32
      %add3A_137 = arith.addi %mul3A_135, %add3A_136 : i32
      %dma_wait3A_138 = arith.constant 40 : i32
      %dma_wait3A_139 = arith.constant 0 : i32
      %dma_wait3A_140 = tpu.memref_slice %arg10[%dma_wait3A_138, %dma_wait3A_139] : memref<80x128xf32, #tpu.memory_space<vmem>> -> memref<40x128xf32, #tpu.memory_space<vmem>>
      %dma_wait3A_141 = tpu.memref_slice %arg7[%add3A_137] : memref<10000xi32, #tpu.memory_space<vmem>> -> memref<40xi32, #tpu.memory_space<vmem>>
      %dma_wait3A_142 = arith.constant 0 : i32
      %dma_wait3A_143 = arith.constant 0 : i32
      %dma_wait3A_144 = tpu.memref_slice %arg2[%dma_wait3A_142, %dma_wait3A_143] : memref<10000x128xf32, #tpu.memory_space<hbm>> -> memref<10000x128xf32, #tpu.memory_space<hbm>>
      tpu.wait_indirect_dma semaphore(%arg15 : memref<!tpu.dma_semaphore, #tpu.memory_space<semaphore_mem>>) src(%dma_wait3A_144 : memref<10000x128xf32, #tpu.memory_space<hbm>>) dst(%dma_wait3A_140 : memref<40x128xf32, #tpu.memory_space<vmem>>)
      %add3A_145 = arith.constant 1 : i32
      %add3A_146 = arith.addi %mul3A_90, %add3A_145 : i32
      %dma_start3A_147 = arith.constant 0 : i32
      %dma_start3A_148 = tpu.memref_slice %arg8[%add3A_146, %dma_start3A_147] : memref<125x80xi32, #tpu.memory_space<vmem>> -> memref<1x80xi32, #tpu.memory_space<vmem>>
      %dma_start3A_149 = tpu.memref_squeeze %dma_start3A_148 : memref<1x80xi32, #tpu.memory_space<vmem>> -> memref<80xi32, #tpu.memory_space<vmem>>
      %dma_start3A_150 = arith.constant 0 : i32
      %dma_start3A_151 = arith.constant 0 : i32
      %dma_start3A_152 = tpu.memref_slice %arg11[%dma_start3A_150, %dma_start3A_151] : memref<10000x128xf32, #tpu.memory_space<vmem_shared>> -> memref<10000x128xf32, #tpu.memory_space<vmem_shared>>
      tpu.enqueue_indirect_dma source(%arg10 : memref<80x128xf32, #tpu.memory_space<vmem>>) target(%dma_start3A_152 : memref<10000x128xf32, #tpu.memory_space<vmem_shared>>) offsets(%dma_start3A_149 : memref<80xi32, #tpu.memory_space<vmem>>) semaphore(%arg17 : memref<!tpu.dma_semaphore, #tpu.memory_space<semaphore_mem>>) {add = true}
      %dma_wait3A_153 = arith.constant 0 : i32
      %dma_wait3A_154 = tpu.memref_slice %arg8[%mul3A_90, %dma_wait3A_153] : memref<125x80xi32, #tpu.memory_space<vmem>> -> memref<1x80xi32, #tpu.memory_space<vmem>>
      %dma_wait3A_155 = tpu.memref_squeeze %dma_wait3A_154 : memref<1x80xi32, #tpu.memory_space<vmem>> -> memref<80xi32, #tpu.memory_space<vmem>>
      %dma_wait3A_156 = arith.constant 0 : i32
      %dma_wait3A_157 = arith.constant 0 : i32
      %dma_wait3A_158 = tpu.memref_slice %arg11[%dma_wait3A_156, %dma_wait3A_157] : memref<10000x128xf32, #tpu.memory_space<vmem_shared>> -> memref<10000x128xf32, #tpu.memory_space<vmem_shared>>
      tpu.wait_indirect_dma semaphore(%arg16 : memref<!tpu.dma_semaphore, #tpu.memory_space<semaphore_mem>>) src(%arg9 : memref<80x128xf32, #tpu.memory_space<vmem>>) dst(%dma_wait3A_158 : memref<10000x128xf32, #tpu.memory_space<vmem_shared>>)
      %add3A_159 = arith.constant 2 : i32
      %add3A_160 = arith.addi %mul3A_90, %add3A_159 : i32
      %mul3A_161 = arith.constant 80 : i32
      %mul3A_162 = arith.muli %add3A_160, %mul3A_161 : i32
      %add3A_163 = arith.constant 0 : i32
      %add3A_164 = arith.addi %mul3A_162, %add3A_163 : i32
      %dma_start3A_165 = arith.constant 0 : i32
      %dma_start3A_166 = arith.constant 0 : i32
      %dma_start3A_167 = tpu.memref_slice %arg9[%dma_start3A_165, %dma_start3A_166] : memref<80x128xf32, #tpu.memory_space<vmem>> -> memref<40x128xf32, #tpu.memory_space<vmem>>
      %dma_start3A_168 = tpu.memref_slice %arg7[%add3A_164] : memref<10000xi32, #tpu.memory_space<vmem>> -> memref<40xi32, #tpu.memory_space<vmem>>
      %dma_start3A_169 = arith.constant 0 : i32
      %dma_start3A_170 = arith.constant 0 : i32
      %dma_start3A_171 = tpu.memref_slice %arg2[%dma_start3A_169, %dma_start3A_170] : memref<10000x128xf32, #tpu.memory_space<hbm>> -> memref<10000x128xf32, #tpu.memory_space<hbm>>
      tpu.enqueue_indirect_dma source(%dma_start3A_171 : memref<10000x128xf32, #tpu.memory_space<hbm>>) target(%dma_start3A_167 : memref<40x128xf32, #tpu.memory_space<vmem>>) offsets(%dma_start3A_168 : memref<40xi32, #tpu.memory_space<vmem>>) semaphore(%arg12 : memref<!tpu.dma_semaphore, #tpu.memory_space<semaphore_mem>>)
      %add3A_172 = arith.constant 2 : i32
      %add3A_173 = arith.addi %mul3A_90, %add3A_172 : i32
      %mul3A_174 = arith.constant 80 : i32
      %mul3A_175 = arith.muli %add3A_173, %mul3A_174 : i32
      %add3A_176 = arith.constant 40 : i32
      %add3A_177 = arith.addi %mul3A_175, %add3A_176 : i32
      %dma_start3A_178 = arith.constant 40 : i32
      %dma_start3A_179 = arith.constant 0 : i32
      %dma_start3A_180 = tpu.memref_slice %arg9[%dma_start3A_178, %dma_start3A_179] : memref<80x128xf32, #tpu.memory_space<vmem>> -> memref<40x128xf32, #tpu.memory_space<vmem>>
      %dma_start3A_181 = tpu.memref_slice %arg7[%add3A_177] : memref<10000xi32, #tpu.memory_space<vmem>> -> memref<40xi32, #tpu.memory_space<vmem>>
      %dma_start3A_182 = arith.constant 0 : i32
      %dma_start3A_183 = arith.constant 0 : i32
      %dma_start3A_184 = tpu.memref_slice %arg2[%dma_start3A_182, %dma_start3A_183] : memref<10000x128xf32, #tpu.memory_space<hbm>> -> memref<10000x128xf32, #tpu.memory_space<hbm>>
      tpu.enqueue_indirect_dma source(%dma_start3A_184 : memref<10000x128xf32, #tpu.memory_space<hbm>>) target(%dma_start3A_180 : memref<40x128xf32, #tpu.memory_space<vmem>>) offsets(%dma_start3A_181 : memref<40xi32, #tpu.memory_space<vmem>>) semaphore(%arg13 : memref<!tpu.dma_semaphore, #tpu.memory_space<semaphore_mem>>)
      %lt3A = arith.constant 61 : i32
      %lt3A_185 = arith.cmpi slt, %scan3A_88, %lt3A : i32
      %convert_element_type3A_186 = arith.extui %lt3A_185 : i1 to i32
      %cond3A_187 = arith.constant 0 : i32
      %cond3A_188 = arith.cmpi ne, %convert_element_type3A_186, %cond3A_187 : i32
      scf.if %cond3A_188 {
        %dma_wait3A_189 = arith.constant 0 : i32
        %dma_wait3A_190 = tpu.memref_slice %arg8[%mul3A_90, %dma_wait3A_189] : memref<125x80xi32, #tpu.memory_space<vmem>> -> memref<1x80xi32, #tpu.memory_space<vmem>>
        %dma_wait3A_191 = tpu.memref_squeeze %dma_wait3A_190 : memref<1x80xi32, #tpu.memory_space<vmem>> -> memref<80xi32, #tpu.memory_space<vmem>>
        %dma_wait3A_192 = arith.constant 0 : i32
        %dma_wait3A_193 = arith.constant 0 : i32
        %dma_wait3A_194 = tpu.memref_slice %arg11[%dma_wait3A_192, %dma_wait3A_193] : memref<10000x128xf32, #tpu.memory_space<vmem_shared>> -> memref<10000x128xf32, #tpu.memory_space<vmem_shared>>
        tpu.wait_indirect_dma semaphore(%arg17 : memref<!tpu.dma_semaphore, #tpu.memory_space<semaphore_mem>>) src(%arg10 : memref<80x128xf32, #tpu.memory_space<vmem>>) dst(%dma_wait3A_194 : memref<10000x128xf32, #tpu.memory_space<vmem_shared>>)
        %add3A_195 = arith.constant 3 : i32
        %add3A_196 = arith.addi %mul3A_90, %add3A_195 : i32
        %mul3A_197 = arith.constant 80 : i32
        %mul3A_198 = arith.muli %add3A_196, %mul3A_197 : i32
        %add3A_199 = arith.constant 0 : i32
        %add3A_200 = arith.addi %mul3A_198, %add3A_199 : i32
        %dma_start3A_201 = arith.constant 0 : i32
        %dma_start3A_202 = arith.constant 0 : i32
        %dma_start3A_203 = tpu.memref_slice %arg10[%dma_start3A_201, %dma_start3A_202] : memref<80x128xf32, #tpu.memory_space<vmem>> -> memref<40x128xf32, #tpu.memory_space<vmem>>
        %dma_start3A_204 = tpu.memref_slice %arg7[%add3A_200] : memref<10000xi32, #tpu.memory_space<vmem>> -> memref<40xi32, #tpu.memory_space<vmem>>
        %dma_start3A_205 = arith.constant 0 : i32
        %dma_start3A_206 = arith.constant 0 : i32
        %dma_start3A_207 = tpu.memref_slice %arg2[%dma_start3A_205, %dma_start3A_206] : memref<10000x128xf32, #tpu.memory_space<hbm>> -> memref<10000x128xf32, #tpu.memory_space<hbm>>
        tpu.enqueue_indirect_dma source(%dma_start3A_207 : memref<10000x128xf32, #tpu.memory_space<hbm>>) target(%dma_start3A_203 : memref<40x128xf32, #tpu.memory_space<vmem>>) offsets(%dma_start3A_204 : memref<40xi32, #tpu.memory_space<vmem>>) semaphore(%arg14 : memref<!tpu.dma_semaphore, #tpu.memory_space<semaphore_mem>>)
        %add3A_208 = arith.constant 3 : i32
        %add3A_209 = arith.addi %mul3A_90, %add3A_208 : i32
        %mul3A_210 = arith.constant 80 : i32
        %mul3A_211 = arith.muli %add3A_209, %mul3A_210 : i32
        %add3A_212 = arith.constant 40 : i32
        %add3A_213 = arith.addi %mul3A_211, %add3A_212 : i32
        %dma_start3A_214 = arith.constant 40 : i32
        %dma_start3A_215 = arith.constant 0 : i32
        %dma_start3A_216 = tpu.memref_slice %arg10[%dma_start3A_214, %dma_start3A_215] : memref<80x128xf32, #tpu.memory_space<vmem>> -> memref<40x128xf32, #tpu.memory_space<vmem>>
        %dma_start3A_217 = tpu.memref_slice %arg7[%add3A_213] : memref<10000xi32, #tpu.memory_space<vmem>> -> memref<40xi32, #tpu.memory_space<vmem>>
        %dma_start3A_218 = arith.constant 0 : i32
        %dma_start3A_219 = arith.constant 0 : i32
        %dma_start3A_220 = tpu.memref_slice %arg2[%dma_start3A_218, %dma_start3A_219] : memref<10000x128xf32, #tpu.memory_space<hbm>> -> memref<10000x128xf32, #tpu.memory_space<hbm>>
        tpu.enqueue_indirect_dma source(%dma_start3A_220 : memref<10000x128xf32, #tpu.memory_space<hbm>>) target(%dma_start3A_216 : memref<40x128xf32, #tpu.memory_space<vmem>>) offsets(%dma_start3A_217 : memref<40xi32, #tpu.memory_space<vmem>>) semaphore(%arg15 : memref<!tpu.dma_semaphore, #tpu.memory_space<semaphore_mem>>)
      } else {
      }
    }
    %scan3A_42 = arith.constant 62 : i32
    %dma_wait3A = arith.constant 0 : i32
    %dma_wait3A_43 = arith.constant 0 : i32
    %dma_wait3A_44 = tpu.memref_slice %arg9[%dma_wait3A, %dma_wait3A_43] : memref<80x128xf32, #tpu.memory_space<vmem>> -> memref<40x128xf32, #tpu.memory_space<vmem>>
    %dma_wait3A_45 = arith.constant 9920 : i32
    %dma_wait3A_46 = tpu.memref_slice %arg7[%dma_wait3A_45] : memref<10000xi32, #tpu.memory_space<vmem>> -> memref<40xi32, #tpu.memory_space<vmem>>
    %dma_wait3A_47 = arith.constant 0 : i32
    %dma_wait3A_48 = arith.constant 0 : i32
    %dma_wait3A_49 = tpu.memref_slice %arg2[%dma_wait3A_47, %dma_wait3A_48] : memref<10000x128xf32, #tpu.memory_space<hbm>> -> memref<10000x128xf32, #tpu.memory_space<hbm>>
    tpu.wait_indirect_dma semaphore(%arg12 : memref<!tpu.dma_semaphore, #tpu.memory_space<semaphore_mem>>) src(%dma_wait3A_49 : memref<10000x128xf32, #tpu.memory_space<hbm>>) dst(%dma_wait3A_44 : memref<40x128xf32, #tpu.memory_space<vmem>>)
    %dma_wait3A_50 = arith.constant 40 : i32
    %dma_wait3A_51 = arith.constant 0 : i32
    %dma_wait3A_52 = tpu.memref_slice %arg9[%dma_wait3A_50, %dma_wait3A_51] : memref<80x128xf32, #tpu.memory_space<vmem>> -> memref<40x128xf32, #tpu.memory_space<vmem>>
    %dma_wait3A_53 = arith.constant 9960 : i32
    %dma_wait3A_54 = tpu.memref_slice %arg7[%dma_wait3A_53] : memref<10000xi32, #tpu.memory_space<vmem>> -> memref<40xi32, #tpu.memory_space<vmem>>
    %dma_wait3A_55 = arith.constant 0 : i32
    %dma_wait3A_56 = arith.constant 0 : i32
    %dma_wait3A_57 = tpu.memref_slice %arg2[%dma_wait3A_55, %dma_wait3A_56] : memref<10000x128xf32, #tpu.memory_space<hbm>> -> memref<10000x128xf32, #tpu.memory_space<hbm>>
    tpu.wait_indirect_dma semaphore(%arg13 : memref<!tpu.dma_semaphore, #tpu.memory_space<semaphore_mem>>) src(%dma_wait3A_57 : memref<10000x128xf32, #tpu.memory_space<hbm>>) dst(%dma_wait3A_52 : memref<40x128xf32, #tpu.memory_space<vmem>>)
    %dma_start3A_58 = arith.constant 124 : i32
    %dma_start3A_59 = arith.constant 0 : i32
    %dma_start3A_60 = tpu.memref_slice %arg8[%dma_start3A_58, %dma_start3A_59] : memref<125x80xi32, #tpu.memory_space<vmem>> -> memref<1x80xi32, #tpu.memory_space<vmem>>
    %dma_start3A_61 = tpu.memref_squeeze %dma_start3A_60 : memref<1x80xi32, #tpu.memory_space<vmem>> -> memref<80xi32, #tpu.memory_space<vmem>>
    %dma_start3A_62 = arith.constant 0 : i32
    %dma_start3A_63 = arith.constant 0 : i32
    %dma_start3A_64 = tpu.memref_slice %arg11[%dma_start3A_62, %dma_start3A_63] : memref<10000x128xf32, #tpu.memory_space<vmem_shared>> -> memref<10000x128xf32, #tpu.memory_space<vmem_shared>>
    tpu.enqueue_indirect_dma source(%arg9 : memref<80x128xf32, #tpu.memory_space<vmem>>) target(%dma_start3A_64 : memref<10000x128xf32, #tpu.memory_space<vmem_shared>>) offsets(%dma_start3A_61 : memref<80xi32, #tpu.memory_space<vmem>>) semaphore(%arg16 : memref<!tpu.dma_semaphore, #tpu.memory_space<semaphore_mem>>) {add = true}
    %dma_wait3A_65 = arith.constant 0 : i32
    %dma_wait3A_66 = arith.constant 0 : i32
    %dma_wait3A_67 = tpu.memref_slice %arg8[%dma_wait3A_65, %dma_wait3A_66] : memref<125x80xi32, #tpu.memory_space<vmem>> -> memref<1x80xi32, #tpu.memory_space<vmem>>
    %dma_wait3A_68 = tpu.memref_squeeze %dma_wait3A_67 : memref<1x80xi32, #tpu.memory_space<vmem>> -> memref<80xi32, #tpu.memory_space<vmem>>
    %dma_wait3A_69 = arith.constant 0 : i32
    %dma_wait3A_70 = arith.constant 0 : i32
    %dma_wait3A_71 = tpu.memref_slice %arg11[%dma_wait3A_69, %dma_wait3A_70] : memref<10000x128xf32, #tpu.memory_space<vmem_shared>> -> memref<10000x128xf32, #tpu.memory_space<vmem_shared>>
    tpu.wait_indirect_dma semaphore(%arg17 : memref<!tpu.dma_semaphore, #tpu.memory_space<semaphore_mem>>) src(%arg10 : memref<80x128xf32, #tpu.memory_space<vmem>>) dst(%dma_wait3A_71 : memref<10000x128xf32, #tpu.memory_space<vmem_shared>>)
    %dma_wait3A_72 = arith.constant 0 : i32
    %dma_wait3A_73 = arith.constant 0 : i32
    %dma_wait3A_74 = tpu.memref_slice %arg8[%dma_wait3A_72, %dma_wait3A_73] : memref<125x80xi32, #tpu.memory_space<vmem>> -> memref<1x80xi32, #tpu.memory_space<vmem>>
    %dma_wait3A_75 = tpu.memref_squeeze %dma_wait3A_74 : memref<1x80xi32, #tpu.memory_space<vmem>> -> memref<80xi32, #tpu.memory_space<vmem>>
    %dma_wait3A_76 = arith.constant 0 : i32
    %dma_wait3A_77 = arith.constant 0 : i32
    %dma_wait3A_78 = tpu.memref_slice %arg11[%dma_wait3A_76, %dma_wait3A_77] : memref<10000x128xf32, #tpu.memory_space<vmem_shared>> -> memref<10000x128xf32, #tpu.memory_space<vmem_shared>>
    tpu.wait_indirect_dma semaphore(%arg16 : memref<!tpu.dma_semaphore, #tpu.memory_space<semaphore_mem>>) src(%arg9 : memref<80x128xf32, #tpu.memory_space<vmem>>) dst(%dma_wait3A_78 : memref<10000x128xf32, #tpu.memory_space<vmem_shared>>)
    %barrier3A_79 = arith.constant 0 : index
    tpu.barrier barrier_id(%barrier3A_79)
    %mul3A_80 = arith.constant 10000 : i32
    %mul3A_81 = arith.muli %arg0, %mul3A_80 : i32
    %add3A_82 = arith.addi %mul3A_81, %mul3A_2 : i32
    "tpu.region"() ({
      %run_scoped3A = tpu.sem_alloc : memref<!tpu.dma_semaphore, #tpu.memory_space<semaphore_mem>>
      %dma_start3A_88 = arith.constant 0 : i32
      %dma_start3A_89 = tpu.memref_slice %arg6[%add3A_82, %dma_start3A_88] : memref<20000x128xf32, #tpu.memory_space<hbm>> -> memref<624x128xf32, #tpu.memory_space<hbm>>
      %dma_start3A_90 = arith.constant 0 : i32
      %dma_start3A_91 = tpu.memref_slice %arg11[%mul3A_2, %dma_start3A_90] : memref<10000x128xf32, #tpu.memory_space<vmem_shared>> -> memref<624x128xf32, #tpu.memory_space<vmem_shared>>
      tpu.enqueue_dma source(%dma_start3A_91 : memref<624x128xf32, #tpu.memory_space<vmem_shared>>) target(%dma_start3A_89 : memref<624x128xf32, #tpu.memory_space<hbm>>) target_semaphore(%run_scoped3A : memref<!tpu.dma_semaphore, #tpu.memory_space<semaphore_mem>>)
      %dma_wait3A_92 = arith.constant 0 : i32
      %dma_wait3A_93 = tpu.memref_slice %arg6[%add3A_82, %dma_wait3A_92] : memref<20000x128xf32, #tpu.memory_space<hbm>> -> memref<624x128xf32, #tpu.memory_space<hbm>>
      %dma_wait3A_94 = arith.constant 0 : i32
      %dma_wait3A_95 = tpu.memref_slice %arg11[%mul3A_2, %dma_wait3A_94] : memref<10000x128xf32, #tpu.memory_space<vmem_shared>> -> memref<624x128xf32, #tpu.memory_space<vmem_shared>>
      tpu.wait_dma2 semaphore(%run_scoped3A : memref<!tpu.dma_semaphore, #tpu.memory_space<semaphore_mem>>) src(%dma_wait3A_95 : memref<624x128xf32, #tpu.memory_space<vmem_shared>>) dst(%dma_wait3A_93 : memref<624x128xf32, #tpu.memory_space<hbm>>)
      tpu.yield
    }) : () -> ()
    %eq3A_83 = arith.constant 15 : i32
    %eq3A_84 = arith.cmpi eq, %arg1, %eq3A_83 : i32
    %convert_element_type3A_85 = arith.extui %eq3A_84 : i1 to i32
    %cond3A_86 = arith.constant 0 : i32
    %cond3A_87 = arith.cmpi ne, %convert_element_type3A_85, %cond3A_86 : i32
    scf.if %cond3A_87 {
      %mul3A_88 = arith.constant 10000 : i32
      %mul3A_89 = arith.muli %arg0, %mul3A_88 : i32
      %add3A_90 = arith.constant 9984 : i32
      %add3A_91 = arith.addi %mul3A_89, %add3A_90 : i32
      "tpu.region"() ({
        %run_scoped3A = tpu.sem_alloc : memref<!tpu.dma_semaphore, #tpu.memory_space<semaphore_mem>>
        %dma_start3A_92 = arith.constant 0 : i32
        %dma_start3A_93 = tpu.memref_slice %arg6[%add3A_91, %dma_start3A_92] : memref<20000x128xf32, #tpu.memory_space<hbm>> -> memref<16x128xf32, #tpu.memory_space<hbm>>
        %dma_start3A_94 = arith.constant 9984 : i32
        %dma_start3A_95 = arith.constant 0 : i32
        %dma_start3A_96 = tpu.memref_slice %arg11[%dma_start3A_94, %dma_start3A_95] : memref<10000x128xf32, #tpu.memory_space<vmem_shared>> -> memref<16x128xf32, #tpu.memory_space<vmem_shared>>
        tpu.enqueue_dma source(%dma_start3A_96 : memref<16x128xf32, #tpu.memory_space<vmem_shared>>) target(%dma_start3A_93 : memref<16x128xf32, #tpu.memory_space<hbm>>) target_semaphore(%run_scoped3A : memref<!tpu.dma_semaphore, #tpu.memory_space<semaphore_mem>>)
        %dma_wait3A_97 = arith.constant 0 : i32
        %dma_wait3A_98 = tpu.memref_slice %arg6[%add3A_91, %dma_wait3A_97] : memref<20000x128xf32, #tpu.memory_space<hbm>> -> memref<16x128xf32, #tpu.memory_space<hbm>>
        %dma_wait3A_99 = arith.constant 9984 : i32
        %dma_wait3A_100 = arith.constant 0 : i32
        %dma_wait3A_101 = tpu.memref_slice %arg11[%dma_wait3A_99, %dma_wait3A_100] : memref<10000x128xf32, #tpu.memory_space<vmem_shared>> -> memref<16x128xf32, #tpu.memory_space<vmem_shared>>
        tpu.wait_dma2 semaphore(%run_scoped3A : memref<!tpu.dma_semaphore, #tpu.memory_space<semaphore_mem>>) src(%dma_wait3A_101 : memref<16x128xf32, #tpu.memory_space<vmem_shared>>) dst(%dma_wait3A_98 : memref<16x128xf32, #tpu.memory_space<hbm>>)
        tpu.yield
      }) : () -> ()
    } else {
    }
    return
  }
}

#map = affine_map<(d0, d1) -> (0, 0)>
#map1 = affine_map<(d0, d1) -> (0)>
#map2 = affine_map<(d0, d1) -> (0, 0, 0)>
module attributes {stable_mosaic.version = 14 : i64} {
  func.func @_sc_segment_sum(%arg0: i32, %arg1: i32, %arg2: memref<10000x128xf32, #tpu.memory_space<hbm>>, %arg3: memref<320000xi32, #tpu.memory_space<hbm>>, %arg4: memref<32x125x80xi32, #tpu.memory_space<hbm>>, %arg5: memref<10000x128xf32, #tpu.memory_space<hbm>>, %arg6: memref<20000x128xf32, #tpu.memory_space<hbm>>, %arg7: memref<10000xi32, #tpu.memory_space<vmem>>, %arg8: memref<125x80xi32, #tpu.memory_space<vmem>>, %arg9: memref<80x128xf32, #tpu.memory_space<vmem>>, %arg10: memref<80x128xf32, #tpu.memory_space<vmem>>, %arg11: memref<10000x128xf32, #tpu.memory_space<vmem_shared>>, %arg12: memref<!tpu.dma_semaphore, #tpu.memory_space<semaphore_mem>>, %arg13: memref<!tpu.dma_semaphore, #tpu.memory_space<semaphore_mem>>, %arg14: memref<!tpu.dma_semaphore, #tpu.memory_space<semaphore_mem>>, %arg15: memref<!tpu.dma_semaphore, #tpu.memory_space<semaphore_mem>>, %arg16: memref<!tpu.dma_semaphore, #tpu.memory_space<semaphore_mem>>, %arg17: memref<!tpu.dma_semaphore, #tpu.memory_space<semaphore_mem>>) attributes {dimension_semantics = [#tpu.dimension_semantics<core_parallel>, #tpu.dimension_semantics<subcore_parallel>], iteration_bounds = array<i64: 2, 16>, scalar_prefetch = 0 : i64, scratch_operands = 11 : i64, tpu.core_type = #tpu.core_type<sc_vector_subcore>, window_params = [{transform_indices = #map}, {transform_indices = #map1}, {transform_indices = #map2}, {transform_indices = #map}, {transform_indices = #map}]} {
    %mul3A = arith.constant 2 : i32
    %mul3A_0 = arith.muli %arg1, %mul3A : i32
    %add3A = arith.addi %mul3A_0, %arg0 : i32
    %mul3A_1 = arith.constant 624 : i32
    %mul3A_2 = arith.muli %arg1, %mul3A_1 : i32
    %mul3A_3 = arith.constant 10000 : i32
    %mul3A_4 = arith.muli %add3A, %mul3A_3 : i32
    "tpu.region"() ({
      %run_scoped3A = tpu.sem_alloc : memref<!tpu.dma_semaphore, #tpu.memory_space<semaphore_mem>>
      %dma_start3A_88 = tpu.memref_slice %arg3[%mul3A_4] : memref<320000xi32, #tpu.memory_space<hbm>> -> memref<10000xi32, #tpu.memory_space<hbm>>
      %dma_start3A_89 = tpu.memref_slice %arg3[%mul3A_4] : memref<320000xi32, #tpu.memory_space<hbm>> -> memref<10000xi32, #tpu.memory_space<hbm>>
      tpu.enqueue_dma source(%dma_start3A_89 : memref<10000xi32, #tpu.memory_space<hbm>>) target(%arg7 : memref<10000xi32, #tpu.memory_space<vmem>>) target_semaphore(%run_scoped3A : memref<!tpu.dma_semaphore, #tpu.memory_space<semaphore_mem>>)
      %dma_wait3A_90 = tpu.memref_slice %arg3[%mul3A_4] : memref<320000xi32, #tpu.memory_space<hbm>> -> memref<10000xi32, #tpu.memory_space<hbm>>
      %dma_wait3A_91 = tpu.memref_slice %arg3[%mul3A_4] : memref<320000xi32, #tpu.memory_space<hbm>> -> memref<10000xi32, #tpu.memory_space<hbm>>
      tpu.wait_dma2 semaphore(%run_scoped3A : memref<!tpu.dma_semaphore, #tpu.memory_space<semaphore_mem>>) src(%dma_wait3A_91 : memref<10000xi32, #tpu.memory_space<hbm>>) dst(%arg7 : memref<10000xi32, #tpu.memory_space<vmem>>)
      tpu.yield
    }) : () -> ()
    "tpu.region"() ({
      %run_scoped3A = tpu.sem_alloc : memref<!tpu.dma_semaphore, #tpu.memory_space<semaphore_mem>>
      %dma_start3A_88 = arith.constant 0 : i32
      %dma_start3A_89 = arith.constant 0 : i32
      %dma_start3A_90 = tpu.memref_slice %arg4[%add3A, %dma_start3A_88, %dma_start3A_89] : memref<32x125x80xi32, #tpu.memory_space<hbm>> -> memref<1x125x80xi32, #tpu.memory_space<hbm>>
      %dma_start3A_91 = tpu.memref_squeeze %dma_start3A_90 : memref<1x125x80xi32, #tpu.memory_space<hbm>> -> memref<125x80xi32, #tpu.memory_space<hbm>>
      %dma_start3A_92 = arith.constant 0 : i32
      %dma_start3A_93 = arith.constant 0 : i32
      %dma_start3A_94 = tpu.memref_slice %arg4[%add3A, %dma_start3A_92, %dma_start3A_93] : memref<32x125x80xi32, #tpu.memory_space<hbm>> -> memref<1x125x80xi32, #tpu.memory_space<hbm>>
      %dma_start3A_95 = tpu.memref_squeeze %dma_start3A_94 : memref<1x125x80xi32, #tpu.memory_space<hbm>> -> memref<125x80xi32, #tpu.memory_space<hbm>>
      tpu.enqueue_dma source(%dma_start3A_95 : memref<125x80xi32, #tpu.memory_space<hbm>>) target(%arg8 : memref<125x80xi32, #tpu.memory_space<vmem>>) target_semaphore(%run_scoped3A : memref<!tpu.dma_semaphore, #tpu.memory_space<semaphore_mem>>)
      %dma_wait3A_96 = arith.constant 0 : i32
      %dma_wait3A_97 = arith.constant 0 : i32
      %dma_wait3A_98 = tpu.memref_slice %arg4[%add3A, %dma_wait3A_96, %dma_wait3A_97] : memref<32x125x80xi32, #tpu.memory_space<hbm>> -> memref<1x125x80xi32, #tpu.memory_space<hbm>>
      %dma_wait3A_99 = tpu.memref_squeeze %dma_wait3A_98 : memref<1x125x80xi32, #tpu.memory_space<hbm>> -> memref<125x80xi32, #tpu.memory_space<hbm>>
      %dma_wait3A_100 = arith.constant 0 : i32
      %dma_wait3A_101 = arith.constant 0 : i32
      %dma_wait3A_102 = tpu.memref_slice %arg4[%add3A, %dma_wait3A_100, %dma_wait3A_101] : memref<32x125x80xi32, #tpu.memory_space<hbm>> -> memref<1x125x80xi32, #tpu.memory_space<hbm>>
      %dma_wait3A_103 = tpu.memref_squeeze %dma_wait3A_102 : memref<1x125x80xi32, #tpu.memory_space<hbm>> -> memref<125x80xi32, #tpu.memory_space<hbm>>
      tpu.wait_dma2 semaphore(%run_scoped3A : memref<!tpu.dma_semaphore, #tpu.memory_space<semaphore_mem>>) src(%dma_wait3A_103 : memref<125x80xi32, #tpu.memory_space<hbm>>) dst(%arg8 : memref<125x80xi32, #tpu.memory_space<vmem>>)
      tpu.yield
    }) : () -> ()
    "tpu.region"() ({
      %run_scoped3A = tpu.sem_alloc : memref<!tpu.dma_semaphore, #tpu.memory_space<semaphore_mem>>
      %dma_start3A_88 = arith.constant 0 : i32
      %dma_start3A_89 = tpu.memref_slice %arg11[%mul3A_2, %dma_start3A_88] : memref<10000x128xf32, #tpu.memory_space<vmem_shared>> -> memref<624x128xf32, #tpu.memory_space<vmem_shared>>
      %dma_start3A_90 = arith.constant 0 : i32
      %dma_start3A_91 = tpu.memref_slice %arg5[%mul3A_2, %dma_start3A_90] : memref<10000x128xf32, #tpu.memory_space<hbm>> -> memref<624x128xf32, #tpu.memory_space<hbm>>
      tpu.enqueue_dma source(%dma_start3A_91 : memref<624x128xf32, #tpu.memory_space<hbm>>) target(%dma_start3A_89 : memref<624x128xf32, #tpu.memory_space<vmem_shared>>) target_semaphore(%run_scoped3A : memref<!tpu.dma_semaphore, #tpu.memory_space<semaphore_mem>>)
      %dma_wait3A_92 = arith.constant 0 : i32
      %dma_wait3A_93 = tpu.memref_slice %arg11[%mul3A_2, %dma_wait3A_92] : memref<10000x128xf32, #tpu.memory_space<vmem_shared>> -> memref<624x128xf32, #tpu.memory_space<vmem_shared>>
      %dma_wait3A_94 = arith.constant 0 : i32
      %dma_wait3A_95 = tpu.memref_slice %arg5[%mul3A_2, %dma_wait3A_94] : memref<10000x128xf32, #tpu.memory_space<hbm>> -> memref<624x128xf32, #tpu.memory_space<hbm>>
      tpu.wait_dma2 semaphore(%run_scoped3A : memref<!tpu.dma_semaphore, #tpu.memory_space<semaphore_mem>>) src(%dma_wait3A_95 : memref<624x128xf32, #tpu.memory_space<hbm>>) dst(%dma_wait3A_93 : memref<624x128xf32, #tpu.memory_space<vmem_shared>>)
      tpu.yield
    }) : () -> ()
    %eq3A = arith.constant 15 : i32
    %eq3A_5 = arith.cmpi eq, %arg1, %eq3A : i32
    %convert_element_type3A = arith.extui %eq3A_5 : i1 to i32
    %cond3A = arith.constant 0 : i32
    %cond3A_6 = arith.cmpi ne, %convert_element_type3A, %cond3A : i32
    scf.if %cond3A_6 {
      "tpu.region"() ({
        %run_scoped3A = tpu.sem_alloc : memref<!tpu.dma_semaphore, #tpu.memory_space<semaphore_mem>>
        %dma_start3A_88 = arith.constant 9984 : i32
        %dma_start3A_89 = arith.constant 0 : i32
        %dma_start3A_90 = tpu.memref_slice %arg11[%dma_start3A_88, %dma_start3A_89] : memref<10000x128xf32, #tpu.memory_space<vmem_shared>> -> memref<16x128xf32, #tpu.memory_space<vmem_shared>>
        %dma_start3A_91 = arith.constant 9984 : i32
        %dma_start3A_92 = arith.constant 0 : i32
        %dma_start3A_93 = tpu.memref_slice %arg5[%dma_start3A_91, %dma_start3A_92] : memref<10000x128xf32, #tpu.memory_space<hbm>> -> memref<16x128xf32, #tpu.memory_space<hbm>>
        tpu.enqueue_dma source(%dma_start3A_93 : memref<16x128xf32, #tpu.memory_space<hbm>>) target(%dma_start3A_90 : memref<16x128xf32, #tpu.memory_space<vmem_shared>>) target_semaphore(%run_scoped3A : memref<!tpu.dma_semaphore, #tpu.memory_space<semaphore_mem>>)
        %dma_wait3A_94 = arith.constant 9984 : i32
        %dma_wait3A_95 = arith.constant 0 : i32
        %dma_wait3A_96 = tpu.memref_slice %arg11[%dma_wait3A_94, %dma_wait3A_95] : memref<10000x128xf32, #tpu.memory_space<vmem_shared>> -> memref<16x128xf32, #tpu.memory_space<vmem_shared>>
        %dma_wait3A_97 = arith.constant 9984 : i32
        %dma_wait3A_98 = arith.constant 0 : i32
        %dma_wait3A_99 = tpu.memref_slice %arg5[%dma_wait3A_97, %dma_wait3A_98] : memref<10000x128xf32, #tpu.memory_space<hbm>> -> memref<16x128xf32, #tpu.memory_space<hbm>>
        tpu.wait_dma2 semaphore(%run_scoped3A : memref<!tpu.dma_semaphore, #tpu.memory_space<semaphore_mem>>) src(%dma_wait3A_99 : memref<16x128xf32, #tpu.memory_space<hbm>>) dst(%dma_wait3A_96 : memref<16x128xf32, #tpu.memory_space<vmem_shared>>)
        tpu.yield
      }) : () -> ()
    } else {
    }
    %barrier3A = arith.constant 0 : index
    tpu.barrier barrier_id(%barrier3A)
    %dma_start3A = arith.constant 0 : i32
    %dma_start3A_7 = arith.constant 0 : i32
    %dma_start3A_8 = tpu.memref_slice %arg9[%dma_start3A, %dma_start3A_7] : memref<80x128xf32, #tpu.memory_space<vmem>> -> memref<40x128xf32, #tpu.memory_space<vmem>>
    %dma_start3A_9 = arith.constant 0 : i32
    %dma_start3A_10 = tpu.memref_slice %arg7[%dma_start3A_9] : memref<10000xi32, #tpu.memory_space<vmem>> -> memref<40xi32, #tpu.memory_space<vmem>>
    %dma_start3A_11 = arith.constant 0 : i32
    %dma_start3A_12 = arith.constant 0 : i32
    %dma_start3A_13 = tpu.memref_slice %arg2[%dma_start3A_11, %dma_start3A_12] : memref<10000x128xf32, #tpu.memory_space<hbm>> -> memref<10000x128xf32, #tpu.memory_space<hbm>>
    tpu.enqueue_indirect_dma source(%dma_start3A_13 : memref<10000x128xf32, #tpu.memory_space<hbm>>) target(%dma_start3A_8 : memref<40x128xf32, #tpu.memory_space<vmem>>) offsets(%dma_start3A_10 : memref<40xi32, #tpu.memory_space<vmem>>) semaphore(%arg12 : memref<!tpu.dma_semaphore, #tpu.memory_space<semaphore_mem>>)
    %dma_start3A_14 = arith.constant 40 : i32
    %dma_start3A_15 = arith.constant 0 : i32
    %dma_start3A_16 = tpu.memref_slice %arg9[%dma_start3A_14, %dma_start3A_15] : memref<80x128xf32, #tpu.memory_space<vmem>> -> memref<40x128xf32, #tpu.memory_space<vmem>>
    %dma_start3A_17 = arith.constant 40 : i32
    %dma_start3A_18 = tpu.memref_slice %arg7[%dma_start3A_17] : memref<10000xi32, #tpu.memory_space<vmem>> -> memref<40xi32, #tpu.memory_space<vmem>>
    %dma_start3A_19 = arith.constant 0 : i32
    %dma_start3A_20 = arith.constant 0 : i32
    %dma_start3A_21 = tpu.memref_slice %arg2[%dma_start3A_19, %dma_start3A_20] : memref<10000x128xf32, #tpu.memory_space<hbm>> -> memref<10000x128xf32, #tpu.memory_space<hbm>>
    tpu.enqueue_indirect_dma source(%dma_start3A_21 : memref<10000x128xf32, #tpu.memory_space<hbm>>) target(%dma_start3A_16 : memref<40x128xf32, #tpu.memory_space<vmem>>) offsets(%dma_start3A_18 : memref<40xi32, #tpu.memory_space<vmem>>) semaphore(%arg13 : memref<!tpu.dma_semaphore, #tpu.memory_space<semaphore_mem>>)
    %dma_start3A_22 = arith.constant 0 : i32
    %dma_start3A_23 = arith.constant 0 : i32
    %dma_start3A_24 = tpu.memref_slice %arg10[%dma_start3A_22, %dma_start3A_23] : memref<80x128xf32, #tpu.memory_space<vmem>> -> memref<40x128xf32, #tpu.memory_space<vmem>>
    %dma_start3A_25 = arith.constant 80 : i32
    %dma_start3A_26 = tpu.memref_slice %arg7[%dma_start3A_25] : memref<10000xi32, #tpu.memory_space<vmem>> -> memref<40xi32, #tpu.memory_space<vmem>>
    %dma_start3A_27 = arith.constant 0 : i32
    %dma_start3A_28 = arith.constant 0 : i32
    %dma_start3A_29 = tpu.memref_slice %arg2[%dma_start3A_27, %dma_start3A_28] : memref<10000x128xf32, #tpu.memory_space<hbm>> -> memref<10000x128xf32, #tpu.memory_space<hbm>>
    tpu.enqueue_indirect_dma source(%dma_start3A_29 : memref<10000x128xf32, #tpu.memory_space<hbm>>) target(%dma_start3A_24 : memref<40x128xf32, #tpu.memory_space<vmem>>) offsets(%dma_start3A_26 : memref<40xi32, #tpu.memory_space<vmem>>) semaphore(%arg14 : memref<!tpu.dma_semaphore, #tpu.memory_space<semaphore_mem>>)
    %dma_start3A_30 = arith.constant 40 : i32
    %dma_start3A_31 = arith.constant 0 : i32
    %dma_start3A_32 = tpu.memref_slice %arg10[%dma_start3A_30, %dma_start3A_31] : memref<80x128xf32, #tpu.memory_space<vmem>> -> memref<40x128xf32, #tpu.memory_space<vmem>>
    %dma_start3A_33 = arith.constant 120 : i32
    %dma_start3A_34 = tpu.memref_slice %arg7[%dma_start3A_33] : memref<10000xi32, #tpu.memory_space<vmem>> -> memref<40xi32, #tpu.memory_space<vmem>>
    %dma_start3A_35 = arith.constant 0 : i32
    %dma_start3A_36 = arith.constant 0 : i32
    %dma_start3A_37 = tpu.memref_slice %arg2[%dma_start3A_35, %dma_start3A_36] : memref<10000x128xf32, #tpu.memory_space<hbm>> -> memref<10000x128xf32, #tpu.memory_space<hbm>>
    tpu.enqueue_indirect_dma source(%dma_start3A_37 : memref<10000x128xf32, #tpu.memory_space<hbm>>) target(%dma_start3A_32 : memref<40x128xf32, #tpu.memory_space<vmem>>) offsets(%dma_start3A_34 : memref<40xi32, #tpu.memory_space<vmem>>) semaphore(%arg15 : memref<!tpu.dma_semaphore, #tpu.memory_space<semaphore_mem>>)
    %scan3A = arith.constant 0 : i32
    %scan3A_38 = arith.constant 0 : i32
    %scan3A_39 = arith.constant 62 : i32
    %scan3A_40 = arith.addi %scan3A_38, %scan3A_39 : i32
    %scan3A_41 = arith.constant 1 : i32
    scf.for %scan3A_88 = %scan3A_38 to %scan3A_40 step %scan3A_41  : i32 {
      %mul3A_89 = arith.constant 2 : i32
      %mul3A_90 = arith.muli %mul3A_89, %scan3A_88 : i32
      %mul3A_91 = arith.constant 80 : i32
      %mul3A_92 = arith.muli %mul3A_90, %mul3A_91 : i32
      %add3A_93 = arith.constant 0 : i32
      %add3A_94 = arith.addi %mul3A_92, %add3A_93 : i32
      %dma_wait3A_95 = arith.constant 0 : i32
      %dma_wait3A_96 = arith.constant 0 : i32
      %dma_wait3A_97 = tpu.memref_slice %arg9[%dma_wait3A_95, %dma_wait3A_96] : memref<80x128xf32, #tpu.memory_space<vmem>> -> memref<40x128xf32, #tpu.memory_space<vmem>>
      %dma_wait3A_98 = tpu.memref_slice %arg7[%add3A_94] : memref<10000xi32, #tpu.memory_space<vmem>> -> memref<40xi32, #tpu.memory_space<vmem>>
      %dma_wait3A_99 = arith.constant 0 : i32
      %dma_wait3A_100 = arith.constant 0 : i32
      %dma_wait3A_101 = tpu.memref_slice %arg2[%dma_wait3A_99, %dma_wait3A_100] : memref<10000x128xf32, #tpu.memory_space<hbm>> -> memref<10000x128xf32, #tpu.memory_space<hbm>>
      tpu.wait_indirect_dma semaphore(%arg12 : memref<!tpu.dma_semaphore, #tpu.memory_space<semaphore_mem>>) src(%dma_wait3A_101 : memref<10000x128xf32, #tpu.memory_space<hbm>>) dst(%dma_wait3A_97 : memref<40x128xf32, #tpu.memory_space<vmem>>)
      %mul3A_102 = arith.constant 80 : i32
      %mul3A_103 = arith.muli %mul3A_90, %mul3A_102 : i32
      %add3A_104 = arith.constant 40 : i32
      %add3A_105 = arith.addi %mul3A_103, %add3A_104 : i32
      %dma_wait3A_106 = arith.constant 40 : i32
      %dma_wait3A_107 = arith.constant 0 : i32
      %dma_wait3A_108 = tpu.memref_slice %arg9[%dma_wait3A_106, %dma_wait3A_107] : memref<80x128xf32, #tpu.memory_space<vmem>> -> memref<40x128xf32, #tpu.memory_space<vmem>>
      %dma_wait3A_109 = tpu.memref_slice %arg7[%add3A_105] : memref<10000xi32, #tpu.memory_space<vmem>> -> memref<40xi32, #tpu.memory_space<vmem>>
      %dma_wait3A_110 = arith.constant 0 : i32
      %dma_wait3A_111 = arith.constant 0 : i32
      %dma_wait3A_112 = tpu.memref_slice %arg2[%dma_wait3A_110, %dma_wait3A_111] : memref<10000x128xf32, #tpu.memory_space<hbm>> -> memref<10000x128xf32, #tpu.memory_space<hbm>>
      tpu.wait_indirect_dma semaphore(%arg13 : memref<!tpu.dma_semaphore, #tpu.memory_space<semaphore_mem>>) src(%dma_wait3A_112 : memref<10000x128xf32, #tpu.memory_space<hbm>>) dst(%dma_wait3A_108 : memref<40x128xf32, #tpu.memory_space<vmem>>)
      %dma_start3A_113 = arith.constant 0 : i32
      %dma_start3A_114 = tpu.memref_slice %arg8[%mul3A_90, %dma_start3A_113] : memref<125x80xi32, #tpu.memory_space<vmem>> -> memref<1x80xi32, #tpu.memory_space<vmem>>
      %dma_start3A_115 = tpu.memref_squeeze %dma_start3A_114 : memref<1x80xi32, #tpu.memory_space<vmem>> -> memref<80xi32, #tpu.memory_space<vmem>>
      %dma_start3A_116 = arith.constant 0 : i32
      %dma_start3A_117 = arith.constant 0 : i32
      %dma_start3A_118 = tpu.memref_slice %arg11[%dma_start3A_116, %dma_start3A_117] : memref<10000x128xf32, #tpu.memory_space<vmem_shared>> -> memref<10000x128xf32, #tpu.memory_space<vmem_shared>>
      tpu.enqueue_indirect_dma source(%arg9 : memref<80x128xf32, #tpu.memory_space<vmem>>) target(%dma_start3A_118 : memref<10000x128xf32, #tpu.memory_space<vmem_shared>>) offsets(%dma_start3A_115 : memref<80xi32, #tpu.memory_space<vmem>>) semaphore(%arg16 : memref<!tpu.dma_semaphore, #tpu.memory_space<semaphore_mem>>) {add = true}
      %add3A_119 = arith.constant 1 : i32
      %add3A_120 = arith.addi %mul3A_90, %add3A_119 : i32
      %mul3A_121 = arith.constant 80 : i32
      %mul3A_122 = arith.muli %add3A_120, %mul3A_121 : i32
      %add3A_123 = arith.constant 0 : i32
      %add3A_124 = arith.addi %mul3A_122, %add3A_123 : i32
      %dma_wait3A_125 = arith.constant 0 : i32
      %dma_wait3A_126 = arith.constant 0 : i32
      %dma_wait3A_127 = tpu.memref_slice %arg10[%dma_wait3A_125, %dma_wait3A_126] : memref<80x128xf32, #tpu.memory_space<vmem>> -> memref<40x128xf32, #tpu.memory_space<vmem>>
      %dma_wait3A_128 = tpu.memref_slice %arg7[%add3A_124] : memref<10000xi32, #tpu.memory_space<vmem>> -> memref<40xi32, #tpu.memory_space<vmem>>
      %dma_wait3A_129 = arith.constant 0 : i32
      %dma_wait3A_130 = arith.constant 0 : i32
      %dma_wait3A_131 = tpu.memref_slice %arg2[%dma_wait3A_129, %dma_wait3A_130] : memref<10000x128xf32, #tpu.memory_space<hbm>> -> memref<10000x128xf32, #tpu.memory_space<hbm>>
      tpu.wait_indirect_dma semaphore(%arg14 : memref<!tpu.dma_semaphore, #tpu.memory_space<semaphore_mem>>) src(%dma_wait3A_131 : memref<10000x128xf32, #tpu.memory_space<hbm>>) dst(%dma_wait3A_127 : memref<40x128xf32, #tpu.memory_space<vmem>>)
      %add3A_132 = arith.constant 1 : i32
      %add3A_133 = arith.addi %mul3A_90, %add3A_132 : i32
      %mul3A_134 = arith.constant 80 : i32
      %mul3A_135 = arith.muli %add3A_133, %mul3A_134 : i32
      %add3A_136 = arith.constant 40 : i32
      %add3A_137 = arith.addi %mul3A_135, %add3A_136 : i32
      %dma_wait3A_138 = arith.constant 40 : i32
      %dma_wait3A_139 = arith.constant 0 : i32
      %dma_wait3A_140 = tpu.memref_slice %arg10[%dma_wait3A_138, %dma_wait3A_139] : memref<80x128xf32, #tpu.memory_space<vmem>> -> memref<40x128xf32, #tpu.memory_space<vmem>>
      %dma_wait3A_141 = tpu.memref_slice %arg7[%add3A_137] : memref<10000xi32, #tpu.memory_space<vmem>> -> memref<40xi32, #tpu.memory_space<vmem>>
      %dma_wait3A_142 = arith.constant 0 : i32
      %dma_wait3A_143 = arith.constant 0 : i32
      %dma_wait3A_144 = tpu.memref_slice %arg2[%dma_wait3A_142, %dma_wait3A_143] : memref<10000x128xf32, #tpu.memory_space<hbm>> -> memref<10000x128xf32, #tpu.memory_space<hbm>>
      tpu.wait_indirect_dma semaphore(%arg15 : memref<!tpu.dma_semaphore, #tpu.memory_space<semaphore_mem>>) src(%dma_wait3A_144 : memref<10000x128xf32, #tpu.memory_space<hbm>>) dst(%dma_wait3A_140 : memref<40x128xf32, #tpu.memory_space<vmem>>)
      %add3A_145 = arith.constant 1 : i32
      %add3A_146 = arith.addi %mul3A_90, %add3A_145 : i32
      %dma_start3A_147 = arith.constant 0 : i32
      %dma_start3A_148 = tpu.memref_slice %arg8[%add3A_146, %dma_start3A_147] : memref<125x80xi32, #tpu.memory_space<vmem>> -> memref<1x80xi32, #tpu.memory_space<vmem>>
      %dma_start3A_149 = tpu.memref_squeeze %dma_start3A_148 : memref<1x80xi32, #tpu.memory_space<vmem>> -> memref<80xi32, #tpu.memory_space<vmem>>
      %dma_start3A_150 = arith.constant 0 : i32
      %dma_start3A_151 = arith.constant 0 : i32
      %dma_start3A_152 = tpu.memref_slice %arg11[%dma_start3A_150, %dma_start3A_151] : memref<10000x128xf32, #tpu.memory_space<vmem_shared>> -> memref<10000x128xf32, #tpu.memory_space<vmem_shared>>
      tpu.enqueue_indirect_dma source(%arg10 : memref<80x128xf32, #tpu.memory_space<vmem>>) target(%dma_start3A_152 : memref<10000x128xf32, #tpu.memory_space<vmem_shared>>) offsets(%dma_start3A_149 : memref<80xi32, #tpu.memory_space<vmem>>) semaphore(%arg17 : memref<!tpu.dma_semaphore, #tpu.memory_space<semaphore_mem>>) {add = true}
      %dma_wait3A_153 = arith.constant 0 : i32
      %dma_wait3A_154 = tpu.memref_slice %arg8[%mul3A_90, %dma_wait3A_153] : memref<125x80xi32, #tpu.memory_space<vmem>> -> memref<1x80xi32, #tpu.memory_space<vmem>>
      %dma_wait3A_155 = tpu.memref_squeeze %dma_wait3A_154 : memref<1x80xi32, #tpu.memory_space<vmem>> -> memref<80xi32, #tpu.memory_space<vmem>>
      %dma_wait3A_156 = arith.constant 0 : i32
      %dma_wait3A_157 = arith.constant 0 : i32
      %dma_wait3A_158 = tpu.memref_slice %arg11[%dma_wait3A_156, %dma_wait3A_157] : memref<10000x128xf32, #tpu.memory_space<vmem_shared>> -> memref<10000x128xf32, #tpu.memory_space<vmem_shared>>
      tpu.wait_indirect_dma semaphore(%arg16 : memref<!tpu.dma_semaphore, #tpu.memory_space<semaphore_mem>>) src(%arg9 : memref<80x128xf32, #tpu.memory_space<vmem>>) dst(%dma_wait3A_158 : memref<10000x128xf32, #tpu.memory_space<vmem_shared>>)
      %add3A_159 = arith.constant 2 : i32
      %add3A_160 = arith.addi %mul3A_90, %add3A_159 : i32
      %mul3A_161 = arith.constant 80 : i32
      %mul3A_162 = arith.muli %add3A_160, %mul3A_161 : i32
      %add3A_163 = arith.constant 0 : i32
      %add3A_164 = arith.addi %mul3A_162, %add3A_163 : i32
      %dma_start3A_165 = arith.constant 0 : i32
      %dma_start3A_166 = arith.constant 0 : i32
      %dma_start3A_167 = tpu.memref_slice %arg9[%dma_start3A_165, %dma_start3A_166] : memref<80x128xf32, #tpu.memory_space<vmem>> -> memref<40x128xf32, #tpu.memory_space<vmem>>
      %dma_start3A_168 = tpu.memref_slice %arg7[%add3A_164] : memref<10000xi32, #tpu.memory_space<vmem>> -> memref<40xi32, #tpu.memory_space<vmem>>
      %dma_start3A_169 = arith.constant 0 : i32
      %dma_start3A_170 = arith.constant 0 : i32
      %dma_start3A_171 = tpu.memref_slice %arg2[%dma_start3A_169, %dma_start3A_170] : memref<10000x128xf32, #tpu.memory_space<hbm>> -> memref<10000x128xf32, #tpu.memory_space<hbm>>
      tpu.enqueue_indirect_dma source(%dma_start3A_171 : memref<10000x128xf32, #tpu.memory_space<hbm>>) target(%dma_start3A_167 : memref<40x128xf32, #tpu.memory_space<vmem>>) offsets(%dma_start3A_168 : memref<40xi32, #tpu.memory_space<vmem>>) semaphore(%arg12 : memref<!tpu.dma_semaphore, #tpu.memory_space<semaphore_mem>>)
      %add3A_172 = arith.constant 2 : i32
      %add3A_173 = arith.addi %mul3A_90, %add3A_172 : i32
      %mul3A_174 = arith.constant 80 : i32
      %mul3A_175 = arith.muli %add3A_173, %mul3A_174 : i32
      %add3A_176 = arith.constant 40 : i32
      %add3A_177 = arith.addi %mul3A_175, %add3A_176 : i32
      %dma_start3A_178 = arith.constant 40 : i32
      %dma_start3A_179 = arith.constant 0 : i32
      %dma_start3A_180 = tpu.memref_slice %arg9[%dma_start3A_178, %dma_start3A_179] : memref<80x128xf32, #tpu.memory_space<vmem>> -> memref<40x128xf32, #tpu.memory_space<vmem>>
      %dma_start3A_181 = tpu.memref_slice %arg7[%add3A_177] : memref<10000xi32, #tpu.memory_space<vmem>> -> memref<40xi32, #tpu.memory_space<vmem>>
      %dma_start3A_182 = arith.constant 0 : i32
      %dma_start3A_183 = arith.constant 0 : i32
      %dma_start3A_184 = tpu.memref_slice %arg2[%dma_start3A_182, %dma_start3A_183] : memref<10000x128xf32, #tpu.memory_space<hbm>> -> memref<10000x128xf32, #tpu.memory_space<hbm>>
      tpu.enqueue_indirect_dma source(%dma_start3A_184 : memref<10000x128xf32, #tpu.memory_space<hbm>>) target(%dma_start3A_180 : memref<40x128xf32, #tpu.memory_space<vmem>>) offsets(%dma_start3A_181 : memref<40xi32, #tpu.memory_space<vmem>>) semaphore(%arg13 : memref<!tpu.dma_semaphore, #tpu.memory_space<semaphore_mem>>)
      %lt3A = arith.constant 61 : i32
      %lt3A_185 = arith.cmpi slt, %scan3A_88, %lt3A : i32
      %convert_element_type3A_186 = arith.extui %lt3A_185 : i1 to i32
      %cond3A_187 = arith.constant 0 : i32
      %cond3A_188 = arith.cmpi ne, %convert_element_type3A_186, %cond3A_187 : i32
      scf.if %cond3A_188 {
        %dma_wait3A_189 = arith.constant 0 : i32
        %dma_wait3A_190 = tpu.memref_slice %arg8[%mul3A_90, %dma_wait3A_189] : memref<125x80xi32, #tpu.memory_space<vmem>> -> memref<1x80xi32, #tpu.memory_space<vmem>>
        %dma_wait3A_191 = tpu.memref_squeeze %dma_wait3A_190 : memref<1x80xi32, #tpu.memory_space<vmem>> -> memref<80xi32, #tpu.memory_space<vmem>>
        %dma_wait3A_192 = arith.constant 0 : i32
        %dma_wait3A_193 = arith.constant 0 : i32
        %dma_wait3A_194 = tpu.memref_slice %arg11[%dma_wait3A_192, %dma_wait3A_193] : memref<10000x128xf32, #tpu.memory_space<vmem_shared>> -> memref<10000x128xf32, #tpu.memory_space<vmem_shared>>
        tpu.wait_indirect_dma semaphore(%arg17 : memref<!tpu.dma_semaphore, #tpu.memory_space<semaphore_mem>>) src(%arg10 : memref<80x128xf32, #tpu.memory_space<vmem>>) dst(%dma_wait3A_194 : memref<10000x128xf32, #tpu.memory_space<vmem_shared>>)
        %add3A_195 = arith.constant 3 : i32
        %add3A_196 = arith.addi %mul3A_90, %add3A_195 : i32
        %mul3A_197 = arith.constant 80 : i32
        %mul3A_198 = arith.muli %add3A_196, %mul3A_197 : i32
        %add3A_199 = arith.constant 0 : i32
        %add3A_200 = arith.addi %mul3A_198, %add3A_199 : i32
        %dma_start3A_201 = arith.constant 0 : i32
        %dma_start3A_202 = arith.constant 0 : i32
        %dma_start3A_203 = tpu.memref_slice %arg10[%dma_start3A_201, %dma_start3A_202] : memref<80x128xf32, #tpu.memory_space<vmem>> -> memref<40x128xf32, #tpu.memory_space<vmem>>
        %dma_start3A_204 = tpu.memref_slice %arg7[%add3A_200] : memref<10000xi32, #tpu.memory_space<vmem>> -> memref<40xi32, #tpu.memory_space<vmem>>
        %dma_start3A_205 = arith.constant 0 : i32
        %dma_start3A_206 = arith.constant 0 : i32
        %dma_start3A_207 = tpu.memref_slice %arg2[%dma_start3A_205, %dma_start3A_206] : memref<10000x128xf32, #tpu.memory_space<hbm>> -> memref<10000x128xf32, #tpu.memory_space<hbm>>
        tpu.enqueue_indirect_dma source(%dma_start3A_207 : memref<10000x128xf32, #tpu.memory_space<hbm>>) target(%dma_start3A_203 : memref<40x128xf32, #tpu.memory_space<vmem>>) offsets(%dma_start3A_204 : memref<40xi32, #tpu.memory_space<vmem>>) semaphore(%arg14 : memref<!tpu.dma_semaphore, #tpu.memory_space<semaphore_mem>>)
        %add3A_208 = arith.constant 3 : i32
        %add3A_209 = arith.addi %mul3A_90, %add3A_208 : i32
        %mul3A_210 = arith.constant 80 : i32
        %mul3A_211 = arith.muli %add3A_209, %mul3A_210 : i32
        %add3A_212 = arith.constant 40 : i32
        %add3A_213 = arith.addi %mul3A_211, %add3A_212 : i32
        %dma_start3A_214 = arith.constant 40 : i32
        %dma_start3A_215 = arith.constant 0 : i32
        %dma_start3A_216 = tpu.memref_slice %arg10[%dma_start3A_214, %dma_start3A_215] : memref<80x128xf32, #tpu.memory_space<vmem>> -> memref<40x128xf32, #tpu.memory_space<vmem>>
        %dma_start3A_217 = tpu.memref_slice %arg7[%add3A_213] : memref<10000xi32, #tpu.memory_space<vmem>> -> memref<40xi32, #tpu.memory_space<vmem>>
        %dma_start3A_218 = arith.constant 0 : i32
        %dma_start3A_219 = arith.constant 0 : i32
        %dma_start3A_220 = tpu.memref_slice %arg2[%dma_start3A_218, %dma_start3A_219] : memref<10000x128xf32, #tpu.memory_space<hbm>> -> memref<10000x128xf32, #tpu.memory_space<hbm>>
        tpu.enqueue_indirect_dma source(%dma_start3A_220 : memref<10000x128xf32, #tpu.memory_space<hbm>>) target(%dma_start3A_216 : memref<40x128xf32, #tpu.memory_space<vmem>>) offsets(%dma_start3A_217 : memref<40xi32, #tpu.memory_space<vmem>>) semaphore(%arg15 : memref<!tpu.dma_semaphore, #tpu.memory_space<semaphore_mem>>)
      } else {
      }
    }
    %scan3A_42 = arith.constant 62 : i32
    %dma_wait3A = arith.constant 0 : i32
    %dma_wait3A_43 = arith.constant 0 : i32
    %dma_wait3A_44 = tpu.memref_slice %arg9[%dma_wait3A, %dma_wait3A_43] : memref<80x128xf32, #tpu.memory_space<vmem>> -> memref<40x128xf32, #tpu.memory_space<vmem>>
    %dma_wait3A_45 = arith.constant 9920 : i32
    %dma_wait3A_46 = tpu.memref_slice %arg7[%dma_wait3A_45] : memref<10000xi32, #tpu.memory_space<vmem>> -> memref<40xi32, #tpu.memory_space<vmem>>
    %dma_wait3A_47 = arith.constant 0 : i32
    %dma_wait3A_48 = arith.constant 0 : i32
    %dma_wait3A_49 = tpu.memref_slice %arg2[%dma_wait3A_47, %dma_wait3A_48] : memref<10000x128xf32, #tpu.memory_space<hbm>> -> memref<10000x128xf32, #tpu.memory_space<hbm>>
    tpu.wait_indirect_dma semaphore(%arg12 : memref<!tpu.dma_semaphore, #tpu.memory_space<semaphore_mem>>) src(%dma_wait3A_49 : memref<10000x128xf32, #tpu.memory_space<hbm>>) dst(%dma_wait3A_44 : memref<40x128xf32, #tpu.memory_space<vmem>>)
    %dma_wait3A_50 = arith.constant 40 : i32
    %dma_wait3A_51 = arith.constant 0 : i32
    %dma_wait3A_52 = tpu.memref_slice %arg9[%dma_wait3A_50, %dma_wait3A_51] : memref<80x128xf32, #tpu.memory_space<vmem>> -> memref<40x128xf32, #tpu.memory_space<vmem>>
    %dma_wait3A_53 = arith.constant 9960 : i32
    %dma_wait3A_54 = tpu.memref_slice %arg7[%dma_wait3A_53] : memref<10000xi32, #tpu.memory_space<vmem>> -> memref<40xi32, #tpu.memory_space<vmem>>
    %dma_wait3A_55 = arith.constant 0 : i32
    %dma_wait3A_56 = arith.constant 0 : i32
    %dma_wait3A_57 = tpu.memref_slice %arg2[%dma_wait3A_55, %dma_wait3A_56] : memref<10000x128xf32, #tpu.memory_space<hbm>> -> memref<10000x128xf32, #tpu.memory_space<hbm>>
    tpu.wait_indirect_dma semaphore(%arg13 : memref<!tpu.dma_semaphore, #tpu.memory_space<semaphore_mem>>) src(%dma_wait3A_57 : memref<10000x128xf32, #tpu.memory_space<hbm>>) dst(%dma_wait3A_52 : memref<40x128xf32, #tpu.memory_space<vmem>>)
    %dma_start3A_58 = arith.constant 124 : i32
    %dma_start3A_59 = arith.constant 0 : i32
    %dma_start3A_60 = tpu.memref_slice %arg8[%dma_start3A_58, %dma_start3A_59] : memref<125x80xi32, #tpu.memory_space<vmem>> -> memref<1x80xi32, #tpu.memory_space<vmem>>
    %dma_start3A_61 = tpu.memref_squeeze %dma_start3A_60 : memref<1x80xi32, #tpu.memory_space<vmem>> -> memref<80xi32, #tpu.memory_space<vmem>>
    %dma_start3A_62 = arith.constant 0 : i32
    %dma_start3A_63 = arith.constant 0 : i32
    %dma_start3A_64 = tpu.memref_slice %arg11[%dma_start3A_62, %dma_start3A_63] : memref<10000x128xf32, #tpu.memory_space<vmem_shared>> -> memref<10000x128xf32, #tpu.memory_space<vmem_shared>>
    tpu.enqueue_indirect_dma source(%arg9 : memref<80x128xf32, #tpu.memory_space<vmem>>) target(%dma_start3A_64 : memref<10000x128xf32, #tpu.memory_space<vmem_shared>>) offsets(%dma_start3A_61 : memref<80xi32, #tpu.memory_space<vmem>>) semaphore(%arg16 : memref<!tpu.dma_semaphore, #tpu.memory_space<semaphore_mem>>) {add = true}
    %dma_wait3A_65 = arith.constant 0 : i32
    %dma_wait3A_66 = arith.constant 0 : i32
    %dma_wait3A_67 = tpu.memref_slice %arg8[%dma_wait3A_65, %dma_wait3A_66] : memref<125x80xi32, #tpu.memory_space<vmem>> -> memref<1x80xi32, #tpu.memory_space<vmem>>
    %dma_wait3A_68 = tpu.memref_squeeze %dma_wait3A_67 : memref<1x80xi32, #tpu.memory_space<vmem>> -> memref<80xi32, #tpu.memory_space<vmem>>
    %dma_wait3A_69 = arith.constant 0 : i32
    %dma_wait3A_70 = arith.constant 0 : i32
    %dma_wait3A_71 = tpu.memref_slice %arg11[%dma_wait3A_69, %dma_wait3A_70] : memref<10000x128xf32, #tpu.memory_space<vmem_shared>> -> memref<10000x128xf32, #tpu.memory_space<vmem_shared>>
    tpu.wait_indirect_dma semaphore(%arg17 : memref<!tpu.dma_semaphore, #tpu.memory_space<semaphore_mem>>) src(%arg10 : memref<80x128xf32, #tpu.memory_space<vmem>>) dst(%dma_wait3A_71 : memref<10000x128xf32, #tpu.memory_space<vmem_shared>>)
    %dma_wait3A_72 = arith.constant 0 : i32
    %dma_wait3A_73 = arith.constant 0 : i32
    %dma_wait3A_74 = tpu.memref_slice %arg8[%dma_wait3A_72, %dma_wait3A_73] : memref<125x80xi32, #tpu.memory_space<vmem>> -> memref<1x80xi32, #tpu.memory_space<vmem>>
    %dma_wait3A_75 = tpu.memref_squeeze %dma_wait3A_74 : memref<1x80xi32, #tpu.memory_space<vmem>> -> memref<80xi32, #tpu.memory_space<vmem>>
    %dma_wait3A_76 = arith.constant 0 : i32
    %dma_wait3A_77 = arith.constant 0 : i32
    %dma_wait3A_78 = tpu.memref_slice %arg11[%dma_wait3A_76, %dma_wait3A_77] : memref<10000x128xf32, #tpu.memory_space<vmem_shared>> -> memref<10000x128xf32, #tpu.memory_space<vmem_shared>>
    tpu.wait_indirect_dma semaphore(%arg16 : memref<!tpu.dma_semaphore, #tpu.memory_space<semaphore_mem>>) src(%arg9 : memref<80x128xf32, #tpu.memory_space<vmem>>) dst(%dma_wait3A_78 : memref<10000x128xf32, #tpu.memory_space<vmem_shared>>)
    %barrier3A_79 = arith.constant 0 : index
    tpu.barrier barrier_id(%barrier3A_79)
    %mul3A_80 = arith.constant 10000 : i32
    %mul3A_81 = arith.muli %arg0, %mul3A_80 : i32
    %add3A_82 = arith.addi %mul3A_81, %mul3A_2 : i32
    "tpu.region"() ({
      %run_scoped3A = tpu.sem_alloc : memref<!tpu.dma_semaphore, #tpu.memory_space<semaphore_mem>>
      %dma_start3A_88 = arith.constant 0 : i32
      %dma_start3A_89 = tpu.memref_slice %arg6[%add3A_82, %dma_start3A_88] : memref<20000x128xf32, #tpu.memory_space<hbm>> -> memref<624x128xf32, #tpu.memory_space<hbm>>
      %dma_start3A_90 = arith.constant 0 : i32
      %dma_start3A_91 = tpu.memref_slice %arg11[%mul3A_2, %dma_start3A_90] : memref<10000x128xf32, #tpu.memory_space<vmem_shared>> -> memref<624x128xf32, #tpu.memory_space<vmem_shared>>
      tpu.enqueue_dma source(%dma_start3A_91 : memref<624x128xf32, #tpu.memory_space<vmem_shared>>) target(%dma_start3A_89 : memref<624x128xf32, #tpu.memory_space<hbm>>) target_semaphore(%run_scoped3A : memref<!tpu.dma_semaphore, #tpu.memory_space<semaphore_mem>>)
      %dma_wait3A_92 = arith.constant 0 : i32
      %dma_wait3A_93 = tpu.memref_slice %arg6[%add3A_82, %dma_wait3A_92] : memref<20000x128xf32, #tpu.memory_space<hbm>> -> memref<624x128xf32, #tpu.memory_space<hbm>>
      %dma_wait3A_94 = arith.constant 0 : i32
      %dma_wait3A_95 = tpu.memref_slice %arg11[%mul3A_2, %dma_wait3A_94] : memref<10000x128xf32, #tpu.memory_space<vmem_shared>> -> memref<624x128xf32, #tpu.memory_space<vmem_shared>>
      tpu.wait_dma2 semaphore(%run_scoped3A : memref<!tpu.dma_semaphore, #tpu.memory_space<semaphore_mem>>) src(%dma_wait3A_95 : memref<624x128xf32, #tpu.memory_space<vmem_shared>>) dst(%dma_wait3A_93 : memref<624x128xf32, #tpu.memory_space<hbm>>)
      tpu.yield
    }) : () -> ()
    %eq3A_83 = arith.constant 15 : i32
    %eq3A_84 = arith.cmpi eq, %arg1, %eq3A_83 : i32
    %convert_element_type3A_85 = arith.extui %eq3A_84 : i1 to i32
    %cond3A_86 = arith.constant 0 : i32
    %cond3A_87 = arith.cmpi ne, %convert_element_type3A_85, %cond3A_86 : i32
    scf.if %cond3A_87 {
      %mul3A_88 = arith.constant 10000 : i32
      %mul3A_89 = arith.muli %arg0, %mul3A_88 : i32
      %add3A_90 = arith.constant 9984 : i32
      %add3A_91 = arith.addi %mul3A_89, %add3A_90 : i32
      "tpu.region"() ({
        %run_scoped3A = tpu.sem_alloc : memref<!tpu.dma_semaphore, #tpu.memory_space<semaphore_mem>>
        %dma_start3A_92 = arith.constant 0 : i32
        %dma_start3A_93 = tpu.memref_slice %arg6[%add3A_91, %dma_start3A_92] : memref<20000x128xf32, #tpu.memory_space<hbm>> -> memref<16x128xf32, #tpu.memory_space<hbm>>
        %dma_start3A_94 = arith.constant 9984 : i32
        %dma_start3A_95 = arith.constant 0 : i32
        %dma_start3A_96 = tpu.memref_slice %arg11[%dma_start3A_94, %dma_start3A_95] : memref<10000x128xf32, #tpu.memory_space<vmem_shared>> -> memref<16x128xf32, #tpu.memory_space<vmem_shared>>
        tpu.enqueue_dma source(%dma_start3A_96 : memref<16x128xf32, #tpu.memory_space<vmem_shared>>) target(%dma_start3A_93 : memref<16x128xf32, #tpu.memory_space<hbm>>) target_semaphore(%run_scoped3A : memref<!tpu.dma_semaphore, #tpu.memory_space<semaphore_mem>>)
        %dma_wait3A_97 = arith.constant 0 : i32
        %dma_wait3A_98 = tpu.memref_slice %arg6[%add3A_91, %dma_wait3A_97] : memref<20000x128xf32, #tpu.memory_space<hbm>> -> memref<16x128xf32, #tpu.memory_space<hbm>>
        %dma_wait3A_99 = arith.constant 9984 : i32
        %dma_wait3A_100 = arith.constant 0 : i32
        %dma_wait3A_101 = tpu.memref_slice %arg11[%dma_wait3A_99, %dma_wait3A_100] : memref<10000x128xf32, #tpu.memory_space<vmem_shared>> -> memref<16x128xf32, #tpu.memory_space<vmem_shared>>
        tpu.wait_dma2 semaphore(%run_scoped3A : memref<!tpu.dma_semaphore, #tpu.memory_space<semaphore_mem>>) src(%dma_wait3A_101 : memref<16x128xf32, #tpu.memory_space<vmem_shared>>) dst(%dma_wait3A_98 : memref<16x128xf32, #tpu.memory_space<hbm>>)
        tpu.yield
      }) : () -> ()
    } else {
    }
    return
  }
}

module attributes {stable_mosaic.version = 14 : i64} {
  func.func @body(%arg0: i32, %arg1: memref<400x128xf32, #tpu.memory_space<vmem>>, %arg2: memref<400x128xf32, #tpu.memory_space<vmem>>, %arg3: memref<400x128xf32, #tpu.memory_space<vmem>>, %arg4: memref<128x128xf32, #tpu.memory_space<vmem>>, %arg5: memref<128x128xf32, #tpu.memory_space<vmem>>, %arg6: memref<1x128xf32, #tpu.memory_space<vmem>>, %arg7: memref<400x128xf32, #tpu.memory_space<vmem>>) attributes {dimension_semantics = [#tpu.dimension_semantics<arbitrary>], iteration_bounds = array<i64: 25>, scalar_prefetch = 0 : i64, scratch_operands = 0 : i64, tpu.core_type = #tpu.core_type<tc>, window_params = [{transform_indices = @transform_0, window_bounds = array<i64: 400, 128>}, {transform_indices = @transform_1, window_bounds = array<i64: 400, 128>}, {transform_indices = @transform_2, window_bounds = array<i64: 400, 128>}, {pipeline_mode = #tpu.pipeline_mode<synchronous>, transform_indices = @transform_3, window_bounds = array<i64: 128, 128>}, {pipeline_mode = #tpu.pipeline_mode<synchronous>, transform_indices = @transform_4, window_bounds = array<i64: 128, 128>}, {pipeline_mode = #tpu.pipeline_mode<synchronous>, transform_indices = @transform_5, window_bounds = array<i64: 1, 128>}, {transform_indices = @transform_6, window_bounds = array<i64: 400, 128>}]} {
    %get3A = arith.constant 0 : index
    %get3A_0 = arith.constant 0 : index
    %get3A_1 = vector.load %arg1[%get3A, %get3A_0] : memref<400x128xf32, #tpu.memory_space<vmem>>, vector<400x128xf32>
    %get3A_2 = arith.constant 0 : index
    %get3A_3 = arith.constant 0 : index
    %get3A_4 = vector.load %arg2[%get3A_2, %get3A_3] : memref<400x128xf32, #tpu.memory_space<vmem>>, vector<400x128xf32>
    %add3A = arith.addf %get3A_1, %get3A_4 : vector<400x128xf32>
    %get3A_5 = arith.constant 0 : index
    %get3A_6 = arith.constant 0 : index
    %get3A_7 = vector.load %arg4[%get3A_5, %get3A_6] : memref<128x128xf32, #tpu.memory_space<vmem>>, vector<128x128xf32>
    %dot_general3A = arith.constant dense<0.000000e+00> : vector<400x128xf32>
    %dot_general3A_8 = tpu.matmul %add3A, %get3A_7, %dot_general3A {dimension_numbers = #tpu.dot_dimension_numbers<[1], [0], [0], [1], [0, 0, 1, 1], [], []>, transpose_lhs_hint = false} : vector<400x128xf32>, vector<128x128xf32>, vector<400x128xf32> -> vector<400x128xf32>
    %get3A_9 = arith.constant 0 : index
    %get3A_10 = arith.constant 0 : index
    %get3A_11 = vector.load %arg3[%get3A_9, %get3A_10] : memref<400x128xf32, #tpu.memory_space<vmem>>, vector<400x128xf32>
    %get3A_12 = arith.constant 0 : index
    %get3A_13 = arith.constant 0 : index
    %get3A_14 = vector.load %arg5[%get3A_12, %get3A_13] : memref<128x128xf32, #tpu.memory_space<vmem>>, vector<128x128xf32>
    %dot_general3A_15 = arith.constant dense<0.000000e+00> : vector<400x128xf32>
    %dot_general3A_16 = tpu.matmul %get3A_11, %get3A_14, %dot_general3A_15 {dimension_numbers = #tpu.dot_dimension_numbers<[1], [0], [0], [1], [0, 0, 1, 1], [], []>, transpose_lhs_hint = false} : vector<400x128xf32>, vector<128x128xf32>, vector<400x128xf32> -> vector<400x128xf32>
    %add3A_17 = arith.addf %dot_general3A_8, %dot_general3A_16 : vector<400x128xf32>
    %get3A_18 = arith.constant 0 : index
    %get3A_19 = arith.constant 0 : index
    %get3A_20 = vector.load %arg6[%get3A_18, %get3A_19] : memref<1x128xf32, #tpu.memory_space<vmem>>, vector<1x128xf32>
    %add3A_21 = vector.broadcast %get3A_20 : vector<1x128xf32> to vector<400x128xf32>
    %add3A_22 = arith.addf %add3A_17, %add3A_21 : vector<400x128xf32>
    %max3A = arith.constant 0.000000e+00 : f32
    %max3A_23 = vector.broadcast %max3A : f32 to vector<400x128xf32>
    %max3A_24 = arith.maximumf %add3A_22, %max3A_23 : vector<400x128xf32>
    %swap3A = arith.constant 0 : index
    %swap3A_25 = arith.constant 0 : index
    %swap3A_26 = vector.load %arg7[%swap3A, %swap3A_25] : memref<400x128xf32, #tpu.memory_space<vmem>>, vector<400x128xf32>
    tpu.vector_store %arg7[%swap3A, %swap3A_25], %max3A_24 {strides = array<i32>} : memref<400x128xf32, #tpu.memory_space<vmem>>, vector<400x128xf32>,
    return
  }
  func.func @transform_0(%arg0: i32) -> (i32, i32) {
    %c0_i32 = arith.constant 0 : i32
    %c0_i32_0 = arith.constant 0 : i32
    return %arg0, %c0_i32 : i32, i32
  }
  func.func @transform_1(%arg0: i32) -> (i32, i32) {
    %c0_i32 = arith.constant 0 : i32
    %c0_i32_0 = arith.constant 0 : i32
    return %arg0, %c0_i32 : i32, i32
  }
  func.func @transform_2(%arg0: i32) -> (i32, i32) {
    %c0_i32 = arith.constant 0 : i32
    %c0_i32_0 = arith.constant 0 : i32
    return %arg0, %c0_i32 : i32, i32
  }
  func.func @transform_3(%arg0: i32) -> (i32, i32) {
    %c0_i32 = arith.constant 0 : i32
    %c0_i32_0 = arith.constant 0 : i32
    %c0_i32_1 = arith.constant 0 : i32
    return %c0_i32, %c0_i32_0 : i32, i32
  }
  func.func @transform_4(%arg0: i32) -> (i32, i32) {
    %c0_i32 = arith.constant 0 : i32
    %c0_i32_0 = arith.constant 0 : i32
    %c0_i32_1 = arith.constant 0 : i32
    return %c0_i32, %c0_i32_0 : i32, i32
  }
  func.func @transform_5(%arg0: i32) -> (i32, i32) {
    %c0_i32 = arith.constant 0 : i32
    %c0_i32_0 = arith.constant 0 : i32
    %c0_i32_1 = arith.constant 0 : i32
    return %c0_i32, %c0_i32_0 : i32, i32
  }
  func.func @transform_6(%arg0: i32) -> (i32, i32) {
    %c0_i32 = arith.constant 0 : i32
    %c0_i32_0 = arith.constant 0 : i32
    return %arg0, %c0_i32 : i32, i32
  }
}

module attributes {stable_mosaic.version = 14 : i64} {
  func.func @body(%arg0: i32, %arg1: memref<400x128xf32, #tpu.memory_space<vmem>>, %arg2: memref<400x128xf32, #tpu.memory_space<vmem>>, %arg3: memref<400x128xf32, #tpu.memory_space<vmem>>, %arg4: memref<128x128xf32, #tpu.memory_space<vmem>>, %arg5: memref<128x128xf32, #tpu.memory_space<vmem>>, %arg6: memref<1x128xf32, #tpu.memory_space<vmem>>, %arg7: memref<400x128xf32, #tpu.memory_space<vmem>>) attributes {dimension_semantics = [#tpu.dimension_semantics<arbitrary>], iteration_bounds = array<i64: 25>, scalar_prefetch = 0 : i64, scratch_operands = 0 : i64, tpu.core_type = #tpu.core_type<tc>, window_params = [{transform_indices = @transform_0, window_bounds = array<i64: 400, 128>}, {transform_indices = @transform_1, window_bounds = array<i64: 400, 128>}, {transform_indices = @transform_2, window_bounds = array<i64: 400, 128>}, {pipeline_mode = #tpu.pipeline_mode<synchronous>, transform_indices = @transform_3, window_bounds = array<i64: 128, 128>}, {pipeline_mode = #tpu.pipeline_mode<synchronous>, transform_indices = @transform_4, window_bounds = array<i64: 128, 128>}, {pipeline_mode = #tpu.pipeline_mode<synchronous>, transform_indices = @transform_5, window_bounds = array<i64: 1, 128>}, {transform_indices = @transform_6, window_bounds = array<i64: 400, 128>}]} {
    %get3A = arith.constant 0 : index
    %get3A_0 = arith.constant 0 : index
    %get3A_1 = vector.load %arg1[%get3A, %get3A_0] : memref<400x128xf32, #tpu.memory_space<vmem>>, vector<400x128xf32>
    %get3A_2 = arith.constant 0 : index
    %get3A_3 = arith.constant 0 : index
    %get3A_4 = vector.load %arg2[%get3A_2, %get3A_3] : memref<400x128xf32, #tpu.memory_space<vmem>>, vector<400x128xf32>
    %add3A = arith.addf %get3A_1, %get3A_4 : vector<400x128xf32>
    %get3A_5 = arith.constant 0 : index
    %get3A_6 = arith.constant 0 : index
    %get3A_7 = vector.load %arg4[%get3A_5, %get3A_6] : memref<128x128xf32, #tpu.memory_space<vmem>>, vector<128x128xf32>
    %dot_general3A = arith.constant dense<0.000000e+00> : vector<400x128xf32>
    %dot_general3A_8 = tpu.matmul %add3A, %get3A_7, %dot_general3A {dimension_numbers = #tpu.dot_dimension_numbers<[1], [0], [0], [1], [0, 0, 1, 1], [], []>, transpose_lhs_hint = false} : vector<400x128xf32>, vector<128x128xf32>, vector<400x128xf32> -> vector<400x128xf32>
    %get3A_9 = arith.constant 0 : index
    %get3A_10 = arith.constant 0 : index
    %get3A_11 = vector.load %arg3[%get3A_9, %get3A_10] : memref<400x128xf32, #tpu.memory_space<vmem>>, vector<400x128xf32>
    %get3A_12 = arith.constant 0 : index
    %get3A_13 = arith.constant 0 : index
    %get3A_14 = vector.load %arg5[%get3A_12, %get3A_13] : memref<128x128xf32, #tpu.memory_space<vmem>>, vector<128x128xf32>
    %dot_general3A_15 = arith.constant dense<0.000000e+00> : vector<400x128xf32>
    %dot_general3A_16 = tpu.matmul %get3A_11, %get3A_14, %dot_general3A_15 {dimension_numbers = #tpu.dot_dimension_numbers<[1], [0], [0], [1], [0, 0, 1, 1], [], []>, transpose_lhs_hint = false} : vector<400x128xf32>, vector<128x128xf32>, vector<400x128xf32> -> vector<400x128xf32>
    %add3A_17 = arith.addf %dot_general3A_8, %dot_general3A_16 : vector<400x128xf32>
    %get3A_18 = arith.constant 0 : index
    %get3A_19 = arith.constant 0 : index
    %get3A_20 = vector.load %arg6[%get3A_18, %get3A_19] : memref<1x128xf32, #tpu.memory_space<vmem>>, vector<1x128xf32>
    %add3A_21 = vector.broadcast %get3A_20 : vector<1x128xf32> to vector<400x128xf32>
    %add3A_22 = arith.addf %add3A_17, %add3A_21 : vector<400x128xf32>
    %swap3A = arith.constant 0 : index
    %swap3A_23 = arith.constant 0 : index
    %swap3A_24 = vector.load %arg7[%swap3A, %swap3A_23] : memref<400x128xf32, #tpu.memory_space<vmem>>, vector<400x128xf32>
    tpu.vector_store %arg7[%swap3A, %swap3A_23], %add3A_22 {strides = array<i32>} : memref<400x128xf32, #tpu.memory_space<vmem>>, vector<400x128xf32>,
    return
  }
  func.func @transform_0(%arg0: i32) -> (i32, i32) {
    %c0_i32 = arith.constant 0 : i32
    %c0_i32_0 = arith.constant 0 : i32
    return %arg0, %c0_i32 : i32, i32
  }
  func.func @transform_1(%arg0: i32) -> (i32, i32) {
    %c0_i32 = arith.constant 0 : i32
    %c0_i32_0 = arith.constant 0 : i32
    return %arg0, %c0_i32 : i32, i32
  }
  func.func @transform_2(%arg0: i32) -> (i32, i32) {
    %c0_i32 = arith.constant 0 : i32
    %c0_i32_0 = arith.constant 0 : i32
    return %arg0, %c0_i32 : i32, i32
  }
  func.func @transform_3(%arg0: i32) -> (i32, i32) {
    %c0_i32 = arith.constant 0 : i32
    %c0_i32_0 = arith.constant 0 : i32
    %c0_i32_1 = arith.constant 0 : i32
    return %c0_i32, %c0_i32_0 : i32, i32
  }
  func.func @transform_4(%arg0: i32) -> (i32, i32) {
    %c0_i32 = arith.constant 0 : i32
    %c0_i32_0 = arith.constant 0 : i32
    %c0_i32_1 = arith.constant 0 : i32
    return %c0_i32, %c0_i32_0 : i32, i32
  }
  func.func @transform_5(%arg0: i32) -> (i32, i32) {
    %c0_i32 = arith.constant 0 : i32
    %c0_i32_0 = arith.constant 0 : i32
    %c0_i32_1 = arith.constant 0 : i32
    return %c0_i32, %c0_i32_0 : i32, i32
  }
  func.func @transform_6(%arg0: i32) -> (i32, i32) {
    %c0_i32 = arith.constant 0 : i32
    %c0_i32_0 = arith.constant 0 : i32
    return %arg0, %c0_i32 : i32, i32
  }
}

</mosaic_0001>

<sc_bundles>
// kernel: kernel.6.cloned.1.call-start
scs
__scs_entry_jumppad:
0x0: {  	(pc) =	sbr.rel $0x88, $3  }
0x1: {  	(tag) =	ssettag $0x0;
	lr =	simm.s32 $0x1  }
0x2: {  	[smem:$0x3F99] =	sst lr;
	_ =	strace $0xD0000000  }
0x3: {  	_ = 	snop  }
0x4: {  	_ = 	snop  }
0x5: {  	_ = 	snop  }
0x6: {  	_ = 	snop  }
0x7: {  	_ = 	snop  }
__scs_overlays_trampoline_lowered:
0x8: {  	[smem:$0x3FA8] =	sst s0  }
0x9: {  	[smem:$0x3FA9] =	sst s1  }
0xa: {  	[smem:$0x3FAA] =	sst s2  }
0xb: {  	[smem:$0x3FAB] =	sst s3  }
0xc: {  	[smem:$0x3FAC] =	sst s4  }
0xd: {  	[smem:$0x3FAD] =	sst s5  }
0xe: {  	[smem:$0x3FAE] =	sst s6  }
0xf: {  	[smem:$0x3FAF] =	sst s7  }
0x10: {  	[smem:$0x3FB0] =	sst s8  }
0x11: {  	[smem:$0x3FB1] =	sst s9;
	s0 =	simm.s32 @!p0 $0x0  }
0x12: {  	s1 =	sld [smem:$0x3F97];
	s0 =	simm.s32 @p0 $0x1  }
0x13: {  	[smem:$0x3FB2] =	sst s0;
	s0 =	simm.s32 @!p1 $0x0  }
0x14: {  	s2 =	sld [smem:$0x3F96];
	s0 =	simm.s32 @p1 $0x1  }
0x15: {  	[smem:$0x3FB3] =	sst s0;
	s0 =	simm.s32 @!p2 $0x0  }
0x16: {  	s3 =	sld [smem:$0x3FDB];
	s0 =	simm.s32 @p2 $0x1  }
0x17: {  	s4 =	simm.s32 $0x1BF5;
	[smem:$0x3FB5] =	sst s0  }
0x18: {  	s0 =	sld [smem:$0x3F98];
	_ =	swait.ge [sflag:s4], $0x0  }
0x19: {  	s7 =	sld [smem:$0x3F99]  }
0x1a: {  	s8 =	sadd.s32 $0xFFFFE003, lr  }
0x1b: {  	s9 =	sadd.s32 $0xFFFFFEF7, lr;
	s5 =	simm.s32 $0xFFFFFFFF;
	p2 =	slt.u32 s8, $0xFFFFF086  }
0x1c: {  	p1 =	slt.u32 s9, $0xF7A;
	s5 =	simm.s32 @!p2 $0x0  }
0x1d: {  	s5 =	simm.s32 @p1 $0x1;
	p0 =	seq.s32 s7, s2  }
0x1e: {  	s7 =	smul.u32 @!p0 $0xF7A, s2;
	p2 =	seq.s32 @!p0 s5, $0x0  }
0x1f: {  	s9 =	smul.u32 $0xF7A, s1;
	s8 =	simm.s32 @!p0 $0x1BF5;
	p2 =	por !p2, p0  }
0x20: {  	[sflag:s8] =	ssyncset.s32 @!p0 $0xFFFFF086;
	s6 =	sadd.s32 @!p0 s3, s7;
	s7 =	simm.s32 @!p0 $0x108  }
0x21: {  	s3 =	sadd.s32 s3, s9;
	s6 =	sadd.s32 @!p0 $0x88, s6;
	s7 =	simm.s32 @p2 $0x1082  }
0x22: {  	[simem:s7], [sflag:s8] =	dma.local @!p0 [hbm:s6], $0xF7A  }
0x23: {  	s9 =	sor.u32 $0xD0000000, s2;
	s6 =	simm.s32 $0x108;
	_ =	swait.ge @!p0 [sflag:s8], $0x0  }
0x24: {  	s3 =	sadd.s32 $0x88, s3;
	s6 =	simm.s32 @!p1 $0x1082;
	[sflag:s4] =	ssyncset.s32 $0xFFFFF086  }
0x25: {  	[simem:s6], [sflag:s4] =	dma.local [hbm:s3], $0xF7A  }
0x26: {  	[smem:$0x3F99] =	sst s1;
	(tag) =	ssettag s2;
	_ =	strace s9  }
0x27: {  	s1 =	sld [smem:$0x3FA9]  }
0x28: {  	s2 =	sld [smem:$0x3FAA]  }
0x29: {  	s4 =	sld [smem:$0x3FAC]  }
0x2a: {  	p0 =	seq.s32 s5, $0x0;
	s5 =	sld [smem:$0x3FAD]  }
0x2b: {  	s6 =	sld [smem:$0x3FAE]  }
0x2c: {  	s7 =	sld [smem:$0x3FAF]  }
0x2d: {  	s3 =	simm.s32 $0x108;
	s8 =	sld [smem:$0x3FB0]  }
0x2e: {  	s3 =	simm.s32 @!p0 $0x1082;
	s9 =	sld [smem:$0x3FB1]  }
0x2f: {  	lr =	sadd.s32 s0, s3;
	s0 =	sld [smem:$0x3FA8]  }
0x30: {  	s3 =	sld [smem:$0x3FAB]  }
0x31: {  	[smem:$0x3FB4] =	sst s10  }
0x32: {  	s10 =	sld [smem:$0x3FB2];
	_ =	sdelay $0x3  }
0x33: {  	p0 =	seq.s32 s10, $0x1;
	s10 =	sld [smem:$0x3FB4];
	_ =	sdelay $0x3  }
0x34: {  	[smem:$0x3FB4] =	sst s10  }
0x35: {  	s10 =	sld [smem:$0x3FB3];
	_ =	sdelay $0x3  }
0x36: {  	p1 =	seq.s32 s10, $0x1;
	s10 =	sld [smem:$0x3FB4];
	_ =	sdelay $0x3  }
0x37: {  	[smem:$0x3FB4] =	sst s10  }
0x38: {  	s10 =	sld [smem:$0x3FB5]  }
0x39: {  	_ = 	snop;
	(pc) =	sbr.ind lr, $3  }
0x3a: {  	_ = 	snop  }
0x3b: {  	_ = 	snop  }
0x3c: {  	p2 =	seq.s32 s10, $0x1;
	s10 =	sld [smem:$0x3FB4]  }
0x3d: {  	_ =	shalt  }
0x3e: {  	_ =	shalt  }
0x3f: {  	_ =	shalt  }
0x40: {  	_ =	shalt  }
0x41: {  	_ =	shalt  }
0x42: {  	_ =	shalt  }
0x43: {  	_ =	shalt  }
0x44: {  	_ =	shalt  }
0x45: {  	_ =	shalt  }
0x46: {  	_ =	shalt  }
0x47: {  	_ =	shalt  }
0x48: {  	_ =	shalt  }
0x49: {  	_ =	shalt  }
0x4a: {  	_ =	shalt  }
0x4b: {  	_ =	shalt  }
0x4c: {  	_ =	shalt  }
0x4d: {  	_ =	shalt  }
0x4e: {  	_ =	shalt  }
0x4f: {  	_ =	shalt  }
0x50: {  	_ =	shalt  }
0x51: {  	_ =	shalt  }
0x52: {  	_ =	shalt  }
0x53: {  	_ =	shalt  }
0x54: {  	_ =	shalt  }
0x55: {  	_ =	shalt  }
0x56: {  	_ =	shalt  }
0x57: {  	_ =	shalt  }
0x58: {  	_ =	shalt  }
0x59: {  	_ =	shalt  }
0x5a: {  	_ =	shalt  }
0x5b: {  	_ =	shalt  }
0x5c: {  	_ =	shalt  }
0x5d: {  	_ =	shalt  }
0x5e: {  	_ =	shalt  }
0x5f: {  	_ =	shalt  }
0x60: {  	_ =	shalt  }
0x61: {  	_ =	shalt  }
0x62: {  	_ =	shalt  }
0x63: {  	_ =	shalt  }
0x64: {  	_ =	shalt  }
0x65: {  	_ =	shalt  }
0x66: {  	_ =	shalt  }
0x67: {  	_ =	shalt  }
0x68: {  	_ =	shalt  }
0x69: {  	_ =	shalt  }
0x6a: {  	_ =	shalt  }
0x6b: {  	_ =	shalt  }
0x6c: {  	_ =	shalt  }
0x6d: {  	_ =	shalt  }
0x6e: {  	_ =	shalt  }
0x6f: {  	_ =	shalt  }
0x70: {  	_ =	shalt  }
0x71: {  	_ =	shalt  }
0x72: {  	_ =	shalt  }
0x73: {  	_ =	shalt  }
0x74: {  	_ =	shalt  }
0x75: {  	_ =	shalt  }
0x76: {  	_ =	shalt  }
0x77: {  	_ =	shalt  }
0x78: {  	_ =	shalt  }
0x79: {  	_ =	shalt  }
0x7a: {  	_ =	shalt  }
0x7b: {  	_ =	shalt  }
0x7c: {  	_ =	shalt  }
0x7d: {  	_ =	shalt  }
0x7e: {  	_ =	shalt  }
0x7f: {  	_ =	shalt  }
0x80: {  	_ =	shalt  }
0x81: {  	_ =	shalt  }
0x82: {  	_ =	shalt  }
0x83: {  	_ =	shalt  }
0x84: {  	_ =	shalt  }
0x85: {  	_ =	shalt  }
0x86: {  	_ =	shalt  }
0x87: {  	_ =	shalt  }
.Lfunc_end0:
.L_simem_size_0:
called_computation_lowered:
.L_overlay_start_0:
0x88: {  	s2 =	sld [smem:$0x3FD9]  }
0x89: {  	s3 =	sld [smem:$0x3FFE];
	_ =	sdelay $0x1  }
0x8a: {  	s1 =	srdreg.scid  }
0x8b: {  	s0 =	sand.u32 $0x1, s1  }
0x8c: {  	s17 =	sshll.u32 s0, $0xA;
	s2 =	sadd.s32 s3, s2  }
0x8d: {  	s2 =	sadd.s32 s2, s17  }
0x8e: {  	[smem:$0x3FC0] =	sst s2  }
0x8f: {  	_ = 	snop  }
0x90: {  	s2 =	sld [smem:$0x3FC9]  }
0x91: {  	s18 =	sld [smem:$0x3FD0];
	(tm) =	ssettm $0x1  }
0x92: {  	s4 =	sld [smem:$0x3FFB];
	_ =	sdelay $0x3  }
0x93: {  	_ =	strace s4  }
0x94: {  	s4 =	sld [smem:$0x3FFC];
	_ =	sdelay $0x3  }
0x95: {  	_ =	strace s4  }
0x96: {  	s4 =	sld [smem:$0x3FFD];
	_ =	sdelay $0x3  }
0x97: {  	_ =	strace s4  }
0x98: {  	_ =	strace $0x8FFFFFFF  }
0x99: {  	s19 =	sld [smem:$0x3FDB];
	_ =	sdelay $0x1  }
0x9a: {  	s5 =	simm.s32 $_scs_section_size  }
0x9b: {  	s6 =	simm.s32 $_size__tile_overlayer_lowered;
	s7 =	simm.s32 $_tile_overlayer_lowered  }
0x9c: {  	s22 =	simm.s32 $0x1BFF;
	s21 =	sshll.u32 s7, $0x1;
	s4 =	sadd.s32 s5, s19  }
0x9d: {  	s8 =	simm.s32 $0x0;
	s20 =	sshll.u32 s6, $0x1;
	s6 =	sadd.s32 s21, s4  }
0x9e: {  	[timem:s8], [sflag:s22] =	dma.local [hbm:s6], s20  }
0x9f: {  	_ =	swait.ge [sflag:s22], s20  }
0xa0: {  	s5 =	ssub.s32 $0x0, s20;
	[sflag:s22] =	ssyncset.done $0x0  }
0xa1: {  	[sflag:s22] =	ssyncadd.s32 s5;
	_ =	sdelay $0x1  }
0xa2: {  	s23 =	simm.s32 $0x1B8B  }
0xa3: {  	_ =	swait.ge [sflag:s23], $0x1  }
0xa4: {  	[sflag:s23] =	ssyncset.done $0x0  }
0xa5: {  	s25 =	simm.s32 $0x1B8E;
	s24 =	sld [smem:$0x3FFE];
	[sflag:s23] =	ssyncadd.s32 $0xFFFFFFFF  }
0xa6: {  	s26 =	simm.s32 $execute0_lowered;
	[smem:$0x3FD2] =	sst s25  }
0xa7: {  	s6 =	sshll.u32 s26, $0x1;
	_ =	strace $0x80000046;
	[dreg:$0x1] =	wrdreg $0xFFFFFFFF  }
0xa8: {  	s28 =	simm.s32 $_size_execute0_lowered;
	s4 =	sadd.s32 s4, s6;
	[dreg:$0x0] =	wrdreg $0x0  }
0xa9: {  	s6 =	sshll.u32 s28, $0x1;
	[dreg:$0x2] =	wrdreg s4  }
0xaa: {  	[dreg:$0x3] =	wrdreg s6  }
0xab: {  	[dreg:$0x4] =	wrdreg $0xC0  }
0xac: {  	_ =	task [dreg:s8], $0x5FFFF  }
0xad: {  	[dreg:$0x1] =	wrdreg $0xFFFFFFFF  }
0xae: {  	[dreg:$0x0] =	wrdreg $0x60  }
0xaf: {  	[dreg:$0x2] =	wrdreg s2  }
0xb0: {  	[dreg:$0x3] =	wrdreg s24  }
0xb1: {  	[dreg:$0x4] =	wrdreg s18  }
0xb2: {  	[dreg:$0x5] =	wrdreg $0xB7800  }
0xb3: {  	[dreg:$0x6] =	wrdreg $0x9  }
0xb4: {  	_ =	task.clear_ibuf [dreg:s8], $0x7FFFF;
	_ =	strace $0x90000046  }
0xb5: {  	s29 =	simm.s32 $0x9;
	_ =	strace $0x80000048  }
0xb6: {  	_ =	swait.ge [sflag:s29], $0x1  }
0xb7: {  	[sflag:s29] =	ssyncadd.s32 $0xFFFFFFFF  }
0xb8: {  	_ =	strace $0x90000048  }
0xb9: {  	_ =	sfence  }
0xba: {  	s30 =	sld [smem:$0x0];
	_ =	sdelay $0x2  }
0xbb: {  	s31 =	sshll.u32 s1, $0xD;
	s1 =	sshrl.u32 s1, $0x2  }
0xbc: {  	s3 =	sand.u32 $0x4000, s31;
	s1 =	sadd.s32 s1, s30  }
0xbd: {  	s0 =	sor.u32 s3, s0;
	s1 =	sshll.u32 s1, $0x11  }
0xbe: {  	s0 =	sor.u32 s1, s0  }
0xbf: {  	s0 =	sadd.s32 $0x8F2B, s0  }
0xc0: {  	[sflag:s0] =	ssyncadd.remote.s32 $0x1  }
0xc1: {  	_ =	sfence.sel $0xFFFF  }
0xc2: {  	[dreg:$0x0] =	wrdreg $0xFFFFFFFF;
	(pc) =	sbr.abs _section_cstart, $3  }
0xc3: {  	[dreg:$0x1] =	wrdreg $0xFFFFFFFF  }
0xc4: {  	_ =	task.clear_ibuf [dreg:s8], $0x2FFFF;
	_ =	strace $0x9FFFFFFF  }
0xc5: {  	(tm) =	ssettm $0x7FFFFFFF  }
tec
execute0_lowered:
.L_overlay_start_1:
0x0: {  	(tag) =	ssettag $0x1  }
0x1: {  	s1 =	rddreg [dreg:$0x0]  }
0x2: {  	s0 =	rddreg [dreg:$0x1];
	s2 =	srdreg.scid  }
0x3: {  	s14 =	stileid.u32;
	s8 =	rddreg [dreg:$0x2]  }
0x4: {  	s3 =	rddreg [dreg:$0x3];
	s17 =	simm.s32 $0x28;
	s18 =	simm.s32 $0x6780  }
0x5: {  	s19 =	simm.s32 $0x7B80;
	s20 =	simm.s32 $0x50;
	s21 =	simm.s32 $0x8F80  }
0x6: {  	s28 =	simm.s32 $0x4;
	s29 =	simm.s32 $0x5;
	s30 =	simm.s32 $0x6  }
0x7: {  	s31 =	simm.s32 $0x0;
	s2 =	sand.u32 $0x1, s2;
	s9 =	smul.u32 $0x2700, s14  }
0x8: {  	s4 =	sshll.u32 s14, $0x1;
	s11 =	smul.u32 $0x4E000, s14;
	s16 =	sadd.s32 $0x138000, s3  }
0x9: {  	p0 =	sne.s32 s14, $0xF;
	s26 =	sshll.u32 s14, $0x6;
	s5 =	sor.u32 s2, s4  }
0xa: {  	s4 =	simm.s32 $0x0;
	s23 =	ssub.s32 $0x2, s2;
	s24 =	smul.u32 $0x138800, s2  }
0xb: {  	s2 =	smul.u32 $0x27100, s2;
	s14 =	sor.u32 $0x1C07, s26;
	s16 =	sshrl.u32 @!p0 s16, $0x3  }
0xc: {  	s26 =	simm.s32 $0x3;
	s6 =	smul.u32 $0x4E2, s5;
	[smem:$0x7FF] =	sst s4  }
0xd: {  	s5 =	sshll.u32 s5, $0xB;
	s10 =	sshrl.u32 s23, $0x1;
	s25 =	sshrl.u32 s11, $0x2  }
0xe: {  	_ =	strace $0x80000047;
	s7 =	sadd.s32 s5, s0;
	s12 =	ssub.s32 s23, s10  }
0xf: {  	s13 =	sadd.s32 s25, s3;
	s10 =	sshrl.u32 s24, $0x3;
	s2 =	sadd.s32 s9, s2  }
0x10: {  	s23 =	simm.s32 $0xA380;
	s24 =	simm.s32 $0x1;
	s25 =	simm.s32 $0x2  }
0x11: {  	s6 =	sadd.s32 s6, s0;
	s0 =	sadd.s32 $0x1BA00, s0;
	s11 =	smax.u32 s12, $0x1  }
0x12: {  	s12 =	simm.s32 $0x7;
	s15 =	sshrl.u32 s13, $0x3;
	s5 =	sadd.s32 $0x1C00, s6  }
0x13: {  	s6 =	sadd.s32 $0xBA00, s7;
	s7 =	sadd.s32 s8, s9;
	s10 =	sadd.s32 s0, s10  }
0x14: {  	s8 =	sadd.s32 $0x27000, s8;
	s9 =	sadd.s32 s0, s2;
	s10 =	sadd.s32 $0x27000, s10  }
.LBB2_1:
0x15: {  	[tilespmem:s4], [sflag:$0x7] =	stream.linear.gather [hbm4b:s5+s4], $0x2710, $0x38;
	[tilespmem:$0x1F000] =	vst v63  }
0x16: {  	_ =	swait.ge [sflag:s12], $0x2710  }
0x17: {  	[sflag:s12] =	ssyncset.done $0x0  }
0x18: {  	s0 =	simm.s32 $0x2780;
	[sflag:s12] =	ssyncadd.s32 $0xFFFFD8F0  }
0x19: {  	[tilespmem:s0], [sflag:$0x7] =	stream.linear.gather [hbm4b:s6+s4], $0x3E80, $0x38;
	[tilespmem:$0x1F000] =	vst v63  }
0x1a: {  	_ =	swait.ge [sflag:s12], $0x3E80  }
0x1b: {  	[sflag:s12] =	ssyncset.done $0x0  }
0x1c: {  	[sflag:s12] =	ssyncadd.s32 $0xFFFFC180  }
0x1d: {  	[spmem:s15], [sflag:s14] =	dma.local [hbm:s7], $0x2700  }
0x1e: {  	_ =	swait.ge [sflag:s12], $0x2700  }
0x1f: {  	[sflag:s12] =	ssyncset.done $0x0  }
0x20: {  	s0 =	simm.s32 @!p0 $0x7;
	[sflag:s12] =	ssyncadd.s32 $0xFFFFD900  }
0x21: {  	[spmem:s16], [sflag:s14] =	dma.local @!p0 [hbm:s8], $0x100  }
0x22: {  	_ =	swait.ge @!p0 [sflag:s0], $0x100  }
0x23: {  	[sflag:s0] =	ssyncset.done @!p0 $0x0  }
0x24: {  	[sflag:s0] =	ssyncadd.s32 @!p0 $0xFFFFFF00  }
0x25: {  	[bflag:$0x0] =	sbarrier.arrive $0xFFFF  }
0x26: {  	[tilespmem:s18], [sflag:$0x1] =	stream.indirect.gather [hbm4b:s1+s17], $0x80, s4, s17, $0xb8;
	[tilespmem:$0x1F000] =	vst v63  }
0x27: {  	_ = 	snop  }
0x28: {  	[tilespmem:s19], [sflag:$0x2] =	stream.indirect.gather [hbm4b:s1+s17], $0x80, s17, s17, $0xb8;
	[tilespmem:$0x1F000] =	vst v63  }
0x29: {  	_ = 	snop  }
0x2a: {  	[tilespmem:s21], [sflag:$0x3] =	stream.indirect.gather [hbm4b:s1+s17], $0x80, s20, s17, $0xb8;
	[tilespmem:$0x1F000] =	vst v63  }
0x2b: {  	s2 =	simm.s32 $0x78  }
0x2c: {  	[tilespmem:s23], [sflag:$0x4] =	stream.indirect.gather [hbm4b:s1+s17], $0x80, s2, s17, $0xb8;
	[tilespmem:$0x1F000] =	vst v63  }
0x2d: {  	_ =	swait.ge [sflag:s24], $0x1400  }
0x2e: {  	[sflag:s24] =	ssyncset.done $0x0  }
0x2f: {  	[sflag:s24] =	ssyncadd.s32 $0xFFFFEC00  }
0x30: {  	_ =	swait.ge [sflag:s25], $0x1400  }
0x31: {  	[sflag:s25] =	ssyncset.done $0x0  }
0x32: {  	s13 =	simm.s32 $0x2780;
	[sflag:s25] =	ssyncadd.s32 $0xFFFFEC00  }
0x33: {  	[spmem:s3] =	stream.indirect.scatter.add.f32 [tilespmem:s18], [sflag:$0x5], $0x80, s13, s20, $0xb8;
	[tilespmem:$0x1F000] =	vst v63  }
0x34: {  	_ =	swait.ge [sflag:s26], $0x1400  }
0x35: {  	[sflag:s26] =	ssyncset.done $0x0  }
0x36: {  	[sflag:s26] =	ssyncadd.s32 $0xFFFFEC00  }
0x37: {  	_ =	swait.ge [sflag:s28], $0x1400  }
0x38: {  	[sflag:s28] =	ssyncset.done $0x0  }
0x39: {  	s22 =	simm.s32 $0x2800;
	[sflag:s28] =	ssyncadd.s32 $0xFFFFEC00  }
0x3a: {  	[spmem:s3] =	stream.indirect.scatter.add.f32 [tilespmem:s21], [sflag:$0x6], $0x80, s22, s20, $0xb8;
	[tilespmem:$0x1F000] =	vst v63  }
0x3b: {  	_ =	swait.ge [sflag:s29], $0x2800  }
0x3c: {  	[sflag:s29] =	ssyncset.done $0x0  }
0x3d: {  	s2 =	simm.s32 $0xA0;
	[sflag:s29] =	ssyncadd.s32 $0xFFFFD800  }
0x3e: {  	[tilespmem:s18], [sflag:$0x1] =	stream.indirect.gather [hbm4b:s1+s17], $0x80, s2, s17, $0xb8;
	[tilespmem:$0x1F000] =	vst v63  }
0x3f: {  	s13 =	simm.s32 $0xC8  }
0x40: {  	[tilespmem:s19], [sflag:$0x2] =	stream.indirect.gather [hbm4b:s1+s17], $0x80, s13, s17, $0xb8;
	[tilespmem:$0x1F000] =	vst v63  }
0x41: {  	_ =	swait.ge [sflag:s30], $0x2800  }
0x42: {  	s0 =	simm.s32 $0x2900;
	s22 =	simm.s32 $0xF0;
	[sflag:s30] =	ssyncset.done $0x0  }
0x43: {  	s2 =	simm.s32 $0x280;
	s13 =	simm.s32 $0x118;
	[sflag:s30] =	ssyncadd.s32 $0xFFFFD800  }
0x44: {  	[tilespmem:s21], [sflag:$0x3] =	stream.indirect.gather [hbm4b:s1+s17], $0x80, s22, s17, $0xb8;
	[tilespmem:$0x1F000] =	vst v63  }
.LBB2_2:
0x45: {  	[tilespmem:s23], [sflag:$0x4] =	stream.indirect.gather [hbm4b:s1+s17], $0x80, s13, s17, $0xb8;
	[tilespmem:$0x1F000] =	vst v63  }
0x46: {  	s13 =	smov.u32 s2  }
0x47: {  	p1 =	sne.s32 s2, $0x9600;
	s2 =	sadd.s32 $0x280, s2;
	_ =	swait.ge [sflag:s24], $0x1400  }
0x48: {  	[sflag:s24] =	ssyncset.done $0x0  }
0x49: {  	[sflag:s24] =	ssyncadd.s32 $0xFFFFEC00  }
0x4a: {  	_ =	swait.ge [sflag:s25], $0x1400  }
0x4b: {  	[sflag:s25] =	ssyncset.done $0x0  }
0x4c: {  	s22 =	sadd.s32 $0xFFFFFF80, s0;
	[sflag:s25] =	ssyncadd.s32 $0xFFFFEC00  }
0x4d: {  	[spmem:s3] =	stream.indirect.scatter.add.f32 [tilespmem:s18], [sflag:$0x5], $0x80, s22, s20, $0xb8;
	[tilespmem:$0x1F000] =	vst v63  }
0x4e: {  	_ =	swait.ge [sflag:s26], $0x1400  }
0x4f: {  	[sflag:s26] =	ssyncset.done $0x0  }
0x50: {  	[sflag:s26] =	ssyncadd.s32 $0xFFFFEC00  }
0x51: {  	_ =	swait.ge [sflag:s28], $0x1400  }
0x52: {  	[sflag:s28] =	ssyncset.done $0x0  }
0x53: {  	[sflag:s28] =	ssyncadd.s32 $0xFFFFEC00  }
0x54: {  	[spmem:s3] =	stream.indirect.scatter.add.f32 [tilespmem:s21], [sflag:$0x6], $0x80, s0, s20, $0xb8;
	[tilespmem:$0x1F000] =	vst v63  }
0x55: {  	_ =	swait.ge [sflag:s29], $0x2800  }
0x56: {  	s13 =	sshra.s32 s13, $0x2;
	[sflag:s29] =	ssyncset.done $0x0  }
0x57: {  	s22 =	sadd.s32 $0xA0, s13;
	[sflag:s29] =	ssyncadd.s32 $0xFFFFD800  }
0x58: {  	[tilespmem:s18], [sflag:$0x1] =	stream.indirect.gather [hbm4b:s1+s17], $0x80, s22, s17, $0xb8;
	[tilespmem:$0x1F000] =	vst v63  }
0x59: {  	s22 =	sadd.s32 $0xC8, s13  }
0x5a: {  	[tilespmem:s19], [sflag:$0x2] =	stream.indirect.gather [hbm4b:s1+s17], $0x80, s22, s17, $0xb8;
	[tilespmem:$0x1F000] =	vst v63  }
.Ltmp0:
0x5b: {  	_ =	swait.ge [sflag:s30], $0x2800;
	(pc) =	sbr.rel @p1 .LBB2_2-.Ltmp0, $4  }
0x5c: {  	[sflag:s30] =	ssyncset.done $0x0  }
0x5d: {  	s22 =	sadd.s32 $0xF0, s13;
	[sflag:s30] =	ssyncadd.s32 $0xFFFFD800  }
0x5e: {  	[tilespmem:s21], [sflag:$0x3] =	stream.indirect.gather [hbm4b:s1+s17], $0x80, s22, s17, $0xb8;
	[tilespmem:$0x1F000] =	vst v63  }
0x5f: {  	s0 =	sadd.s32 $0x100, s0;
	s13 =	sadd.s32 $0x118, s13  }
0x60: {  	[tilespmem:s23], [sflag:$0x4] =	stream.indirect.gather [hbm4b:s1+s17], $0x80, s13, s17, $0xb8;
	[tilespmem:$0x1F000] =	vst v63  }
0x61: {  	_ =	swait.ge [sflag:s24], $0x1400  }
0x62: {  	[sflag:s24] =	ssyncset.done $0x0  }
0x63: {  	[sflag:s24] =	ssyncadd.s32 $0xFFFFEC00  }
0x64: {  	_ =	swait.ge [sflag:s25], $0x1400  }
0x65: {  	[sflag:s25] =	ssyncset.done $0x0  }
0x66: {  	s0 =	simm.s32 $0x6480;
	[sflag:s25] =	ssyncadd.s32 $0xFFFFEC00  }
0x67: {  	[spmem:s3] =	stream.indirect.scatter.add.f32 [tilespmem:s18], [sflag:$0x5], $0x80, s0, s20, $0xb8;
	[tilespmem:$0x1F000] =	vst v63  }
0x68: {  	_ =	swait.ge [sflag:s26], $0x1400  }
0x69: {  	[sflag:s26] =	ssyncset.done $0x0  }
0x6a: {  	[sflag:s26] =	ssyncadd.s32 $0xFFFFEC00  }
0x6b: {  	_ =	swait.ge [sflag:s28], $0x1400  }
0x6c: {  	[sflag:s28] =	ssyncset.done $0x0  }
0x6d: {  	s22 =	simm.s32 $0x6500;
	[sflag:s28] =	ssyncadd.s32 $0xFFFFEC00  }
0x6e: {  	[spmem:s3] =	stream.indirect.scatter.add.f32 [tilespmem:s21], [sflag:$0x6], $0x80, s22, s20, $0xb8;
	[tilespmem:$0x1F000] =	vst v63  }
0x6f: {  	_ =	swait.ge [sflag:s29], $0x2800  }
0x70: {  	[sflag:s29] =	ssyncset.done $0x0  }
0x71: {  	s2 =	simm.s32 $0x26C0;
	[sflag:s29] =	ssyncadd.s32 $0xFFFFD800  }
0x72: {  	[tilespmem:s18], [sflag:$0x1] =	stream.indirect.gather [hbm4b:s1+s17], $0x80, s2, s17, $0xb8;
	[tilespmem:$0x1F000] =	vst v63  }
0x73: {  	s13 =	simm.s32 $0x26E8  }
0x74: {  	[tilespmem:s19], [sflag:$0x2] =	stream.indirect.gather [hbm4b:s1+s17], $0x80, s13, s17, $0xb8;
	[tilespmem:$0x1F000] =	vst v63  }
0x75: {  	_ =	swait.ge [sflag:s24], $0x1400  }
0x76: {  	[sflag:s24] =	ssyncset.done $0x0  }
0x77: {  	[sflag:s24] =	ssyncadd.s32 $0xFFFFEC00  }
0x78: {  	_ =	swait.ge [sflag:s25], $0x1400  }
0x79: {  	[sflag:s25] =	ssyncset.done $0x0  }
0x7a: {  	s22 =	simm.s32 $0x6580;
	[sflag:s25] =	ssyncadd.s32 $0xFFFFEC00  }
0x7b: {  	[spmem:s3] =	stream.indirect.scatter.add.f32 [tilespmem:s18], [sflag:$0x5], $0x80, s22, s20, $0xb8;
	[tilespmem:$0x1F000] =	vst v63  }
0x7c: {  	_ =	swait.ge [sflag:s30], $0x2800  }
0x7d: {  	[sflag:s30] =	ssyncset.done $0x0  }
0x7e: {  	[sflag:s30] =	ssyncadd.s32 $0xFFFFD800  }
0x7f: {  	_ =	swait.ge [sflag:s29], $0x2800  }
0x80: {  	[sflag:s29] =	ssyncset.done $0x0  }
0x81: {  	[sflag:s29] =	ssyncadd.s32 $0xFFFFD800  }
0x82: {  	[bflag:$0x0] =	sbarrier.arrive $0xFFFF  }
0x83: {  	[hbm:s9], [sflag:s14] =	dma.local [spmem:s15], $0x2700  }
0x84: {  	s31 =	sadd.s32 $0x1, s31;
	_ =	swait.ge [sflag:s12], $0x2700  }
0x85: {  	p1 =	sne.s32 s31, s11;
	[sflag:s12] =	ssyncset.done $0x0  }
.Ltmp1:
0x86: {  	s0 =	simm.s32 @!p0 $0x7;
	[sflag:s12] =	ssyncadd.s32 $0xFFFFD900;
	(pc) =	sbr.rel @p1 .LBB2_1-.Ltmp1, $4  }
0x87: {  	[hbm:s10], [sflag:s14] =	dma.local @!p0 [spmem:s16], $0x100  }
0x88: {  	_ =	swait.ge @!p0 [sflag:s0], $0x100  }
0x89: {  	[sflag:s0] =	ssyncset.done @!p0 $0x0  }
0x8a: {  	[sflag:s0] =	ssyncadd.s32 @!p0 $0xFFFFFF00  }
0x8b: {  	_ =	sfence.sel $0x180000  }
0x8c: {  	[bflag:$0x0] =	sbarrier.arrive $0xFFFF  }
0x8d: {  	_ =	strace $0x90000047  }
0x8e: {  	s0 =	stileid.u32;
	[bflag:$0x2] =	sbarrier.arrive $0xFFFF  }
0x8f: {  	p0 =	sne.s32 s0, $0x0;
	s0 =	rddreg [dreg:$0x4]  }
0x90: {  	s0 =	sadd.s32 @!p0 $0x100000, s0  }
0x91: {  	[sflag:s0] =	ssyncadd.tile.s32 @!p0 $0x1;
	_ =	shalt  }
.Lfunc_end2:
_tile_overlayer_lowered:
.L_overlay_start_2:
0x92: {  	(tag) =	ssettag $0x2  }
0x93: {  	s0 =	rddreg [dreg:$0x0];
	s2 =	stileid.u32  }
0x94: {  	s1 =	rddreg [dreg:$0x1];
	p0 =	sne.s32 s2, $0x0  }
0x95: {  	s3 =	rddreg [dreg:$0x2];
	[bflag:$0x3] =	sbarrier.arrive $0xFFFF;
	s2 =	simm.s32 @!p0 $0x1C07  }
0x96: {  	[timem:s3], [sflag:s2] =	dma.local @!p0 [hbm:s0], s1  }
0x97: {  	s0 =	simm.s32 @!p0 $0x7  }
0x98: {  	_ =	swait.ge @!p0 [sflag:s0], s1  }
0x99: {  	s1 =	ssub.s32 @!p0 $0x0, s1;
	[sflag:s0] =	ssyncset.done @!p0 $0x0  }
0x9a: {  	[sflag:s0] =	ssyncadd.s32 @!p0 s1  }
0x9b: {  	[bflag:$0x3] =	sbarrier.arrive $0xFFFF  }
0x9c: {  	_ =	shalt  }

// kernel: kernel.9.cloned.1.call-start
scs
__scs_entry_jumppad:
0x0: {  	(pc) =	sbr.rel $0x88, $3  }
0x1: {  	(tag) =	ssettag $0x0;
	lr =	simm.s32 $0x1  }
0x2: {  	[smem:$0x3F99] =	sst lr;
	_ =	strace $0xD0000000  }
0x3: {  	_ = 	snop  }
0x4: {  	_ = 	snop  }
0x5: {  	_ = 	snop  }
0x6: {  	_ = 	snop  }
0x7: {  	_ = 	snop  }
__scs_overlays_trampoline_lowered:
0x8: {  	[smem:$0x3FA8] =	sst s0  }
0x9: {  	[smem:$0x3FA9] =	sst s1  }
0xa: {  	[smem:$0x3FAA] =	sst s2  }
0xb: {  	[smem:$0x3FAB] =	sst s3  }
0xc: {  	[smem:$0x3FAC] =	sst s4  }
0xd: {  	[smem:$0x3FAD] =	sst s5  }
0xe: {  	[smem:$0x3FAE] =	sst s6  }
0xf: {  	[smem:$0x3FAF] =	sst s7  }
0x10: {  	[smem:$0x3FB0] =	sst s8  }
0x11: {  	[smem:$0x3FB1] =	sst s9;
	s0 =	simm.s32 @!p0 $0x0  }
0x12: {  	s1 =	sld [smem:$0x3F97];
	s0 =	simm.s32 @p0 $0x1  }
0x13: {  	[smem:$0x3FB2] =	sst s0;
	s0 =	simm.s32 @!p1 $0x0  }
0x14: {  	s2 =	sld [smem:$0x3F96];
	s0 =	simm.s32 @p1 $0x1  }
0x15: {  	[smem:$0x3FB3] =	sst s0;
	s0 =	simm.s32 @!p2 $0x0  }
0x16: {  	s3 =	sld [smem:$0x3FDB];
	s0 =	simm.s32 @p2 $0x1  }
0x17: {  	s4 =	simm.s32 $0x1BF5;
	[smem:$0x3FB5] =	sst s0  }
0x18: {  	s0 =	sld [smem:$0x3F98];
	_ =	swait.ge [sflag:s4], $0x0  }
0x19: {  	s7 =	sld [smem:$0x3F99]  }
0x1a: {  	s8 =	sadd.s32 $0xFFFFE003, lr  }
0x1b: {  	s9 =	sadd.s32 $0xFFFFFEF7, lr;
	s5 =	simm.s32 $0xFFFFFFFF;
	p2 =	slt.u32 s8, $0xFFFFF086  }
0x1c: {  	p1 =	slt.u32 s9, $0xF7A;
	s5 =	simm.s32 @!p2 $0x0  }
0x1d: {  	s5 =	simm.s32 @p1 $0x1;
	p0 =	seq.s32 s7, s2  }
0x1e: {  	s7 =	smul.u32 @!p0 $0xF7A, s2;
	p2 =	seq.s32 @!p0 s5, $0x0  }
0x1f: {  	s9 =	smul.u32 $0xF7A, s1;
	s8 =	simm.s32 @!p0 $0x1BF5;
	p2 =	por !p2, p0  }
0x20: {  	[sflag:s8] =	ssyncset.s32 @!p0 $0xFFFFF086;
	s6 =	sadd.s32 @!p0 s3, s7;
	s7 =	simm.s32 @!p0 $0x108  }
0x21: {  	s3 =	sadd.s32 s3, s9;
	s6 =	sadd.s32 @!p0 $0x88, s6;
	s7 =	simm.s32 @p2 $0x1082  }
0x22: {  	[simem:s7], [sflag:s8] =	dma.local @!p0 [hbm:s6], $0xF7A  }
0x23: {  	s9 =	sor.u32 $0xD0000000, s2;
	s6 =	simm.s32 $0x108;
	_ =	swait.ge @!p0 [sflag:s8], $0x0  }
0x24: {  	s3 =	sadd.s32 $0x88, s3;
	s6 =	simm.s32 @!p1 $0x1082;
	[sflag:s4] =	ssyncset.s32 $0xFFFFF086  }
0x25: {  	[simem:s6], [sflag:s4] =	dma.local [hbm:s3], $0xF7A  }
0x26: {  	[smem:$0x3F99] =	sst s1;
	(tag) =	ssettag s2;
	_ =	strace s9  }
0x27: {  	s1 =	sld [smem:$0x3FA9]  }
0x28: {  	s2 =	sld [smem:$0x3FAA]  }
0x29: {  	s4 =	sld [smem:$0x3FAC]  }
0x2a: {  	p0 =	seq.s32 s5, $0x0;
	s5 =	sld [smem:$0x3FAD]  }
0x2b: {  	s6 =	sld [smem:$0x3FAE]  }
0x2c: {  	s7 =	sld [smem:$0x3FAF]  }
0x2d: {  	s3 =	simm.s32 $0x108;
	s8 =	sld [smem:$0x3FB0]  }
0x2e: {  	s3 =	simm.s32 @!p0 $0x1082;
	s9 =	sld [smem:$0x3FB1]  }
0x2f: {  	lr =	sadd.s32 s0, s3;
	s0 =	sld [smem:$0x3FA8]  }
0x30: {  	s3 =	sld [smem:$0x3FAB]  }
0x31: {  	[smem:$0x3FB4] =	sst s10  }
0x32: {  	s10 =	sld [smem:$0x3FB2];
	_ =	sdelay $0x3  }
0x33: {  	p0 =	seq.s32 s10, $0x1;
	s10 =	sld [smem:$0x3FB4];
	_ =	sdelay $0x3  }
0x34: {  	[smem:$0x3FB4] =	sst s10  }
0x35: {  	s10 =	sld [smem:$0x3FB3];
	_ =	sdelay $0x3  }
0x36: {  	p1 =	seq.s32 s10, $0x1;
	s10 =	sld [smem:$0x3FB4];
	_ =	sdelay $0x3  }
0x37: {  	[smem:$0x3FB4] =	sst s10  }
0x38: {  	s10 =	sld [smem:$0x3FB5]  }
0x39: {  	_ = 	snop;
	(pc) =	sbr.ind lr, $3  }
0x3a: {  	_ = 	snop  }
0x3b: {  	_ = 	snop  }
0x3c: {  	p2 =	seq.s32 s10, $0x1;
	s10 =	sld [smem:$0x3FB4]  }
0x3d: {  	_ =	shalt  }
0x3e: {  	_ =	shalt  }
0x3f: {  	_ =	shalt  }
0x40: {  	_ =	shalt  }
0x41: {  	_ =	shalt  }
0x42: {  	_ =	shalt  }
0x43: {  	_ =	shalt  }
0x44: {  	_ =	shalt  }
0x45: {  	_ =	shalt  }
0x46: {  	_ =	shalt  }
0x47: {  	_ =	shalt  }
0x48: {  	_ =	shalt  }
0x49: {  	_ =	shalt  }
0x4a: {  	_ =	shalt  }
0x4b: {  	_ =	shalt  }
0x4c: {  	_ =	shalt  }
0x4d: {  	_ =	shalt  }
0x4e: {  	_ =	shalt  }
0x4f: {  	_ =	shalt  }
0x50: {  	_ =	shalt  }
0x51: {  	_ =	shalt  }
0x52: {  	_ =	shalt  }
0x53: {  	_ =	shalt  }
0x54: {  	_ =	shalt  }
0x55: {  	_ =	shalt  }
0x56: {  	_ =	shalt  }
0x57: {  	_ =	shalt  }
0x58: {  	_ =	shalt  }
0x59: {  	_ =	shalt  }
0x5a: {  	_ =	shalt  }
0x5b: {  	_ =	shalt  }
0x5c: {  	_ =	shalt  }
0x5d: {  	_ =	shalt  }
0x5e: {  	_ =	shalt  }
0x5f: {  	_ =	shalt  }
0x60: {  	_ =	shalt  }
0x61: {  	_ =	shalt  }
0x62: {  	_ =	shalt  }
0x63: {  	_ =	shalt  }
0x64: {  	_ =	shalt  }
0x65: {  	_ =	shalt  }
0x66: {  	_ =	shalt  }
0x67: {  	_ =	shalt  }
0x68: {  	_ =	shalt  }
0x69: {  	_ =	shalt  }
0x6a: {  	_ =	shalt  }
0x6b: {  	_ =	shalt  }
0x6c: {  	_ =	shalt  }
0x6d: {  	_ =	shalt  }
0x6e: {  	_ =	shalt  }
0x6f: {  	_ =	shalt  }
0x70: {  	_ =	shalt  }
0x71: {  	_ =	shalt  }
0x72: {  	_ =	shalt  }
0x73: {  	_ =	shalt  }
0x74: {  	_ =	shalt  }
0x75: {  	_ =	shalt  }
0x76: {  	_ =	shalt  }
0x77: {  	_ =	shalt  }
0x78: {  	_ =	shalt  }
0x79: {  	_ =	shalt  }
0x7a: {  	_ =	shalt  }
0x7b: {  	_ =	shalt  }
0x7c: {  	_ =	shalt  }
0x7d: {  	_ =	shalt  }
0x7e: {  	_ =	shalt  }
0x7f: {  	_ =	shalt  }
0x80: {  	_ =	shalt  }
0x81: {  	_ =	shalt  }
0x82: {  	_ =	shalt  }
0x83: {  	_ =	shalt  }
0x84: {  	_ =	shalt  }
0x85: {  	_ =	shalt  }
0x86: {  	_ =	shalt  }
0x87: {  	_ =	shalt  }
.Lfunc_end0:
.L_simem_size_0:
called_computation.1_lowered:
.L_overlay_start_0:
0x88: {  	s2 =	sld [smem:$0x3FD9]  }
0x89: {  	s3 =	sld [smem:$0x3FFE];
	_ =	sdelay $0x1  }
0x8a: {  	s1 =	srdreg.scid  }
0x8b: {  	s0 =	sand.u32 $0x1, s1  }
0x8c: {  	s17 =	sshll.u32 s0, $0xA;
	s2 =	sadd.s32 s3, s2  }
0x8d: {  	s2 =	sadd.s32 s2, s17  }
0x8e: {  	[smem:$0x3FC0] =	sst s2  }
0x8f: {  	_ = 	snop  }
0x90: {  	s2 =	sld [smem:$0x3FD0];
	(tm) =	ssettm $0x1  }
0x91: {  	s18 =	sld [smem:$0x3FFB];
	_ =	sdelay $0x3  }
0x92: {  	_ =	strace s18  }
0x93: {  	s3 =	sld [smem:$0x3FFC];
	_ =	sdelay $0x3  }
0x94: {  	_ =	strace s3  }
0x95: {  	s3 =	sld [smem:$0x3FFD];
	_ =	sdelay $0x3  }
0x96: {  	_ =	strace s3  }
0x97: {  	_ =	strace $0x8FFFFFFF  }
0x98: {  	s19 =	sld [smem:$0x3FDB];
	_ =	sdelay $0x1  }
0x99: {  	s4 =	simm.s32 $_scs_section_size  }
0x9a: {  	s5 =	simm.s32 $_size__tile_overlayer_lowered;
	s6 =	simm.s32 $_tile_overlayer_lowered  }
0x9b: {  	s22 =	simm.s32 $0x1BFF;
	s21 =	sshll.u32 s6, $0x1;
	s3 =	sadd.s32 s4, s19  }
0x9c: {  	s7 =	simm.s32 $0x0;
	s20 =	sshll.u32 s5, $0x1;
	s5 =	sadd.s32 s21, s3  }
0x9d: {  	[timem:s7], [sflag:s22] =	dma.local [hbm:s5], s20  }
0x9e: {  	_ =	swait.ge [sflag:s22], s20  }
0x9f: {  	s4 =	ssub.s32 $0x0, s20;
	[sflag:s22] =	ssyncset.done $0x0  }
0xa0: {  	[sflag:s22] =	ssyncadd.s32 s4;
	_ =	sdelay $0x1  }
0xa1: {  	s23 =	simm.s32 $0x1B8B  }
0xa2: {  	_ =	swait.ge [sflag:s23], $0x1  }
0xa3: {  	[sflag:s23] =	ssyncset.done $0x0  }
0xa4: {  	s25 =	simm.s32 $0x1B8E;
	s24 =	sld [smem:$0x3FFE];
	[sflag:s23] =	ssyncadd.s32 $0xFFFFFFFF  }
0xa5: {  	s26 =	simm.s32 $execute0_lowered;
	[smem:$0x3FD2] =	sst s25  }
0xa6: {  	s5 =	sshll.u32 s26, $0x1;
	_ =	strace $0x80000049;
	[dreg:$0x1] =	wrdreg $0xFFFFFFFF  }
0xa7: {  	s28 =	simm.s32 $_size_execute0_lowered;
	s3 =	sadd.s32 s3, s5;
	[dreg:$0x0] =	wrdreg $0x0  }
0xa8: {  	s5 =	sshll.u32 s28, $0x1;
	[dreg:$0x2] =	wrdreg s3  }
0xa9: {  	[dreg:$0x3] =	wrdreg s5  }
0xaa: {  	[dreg:$0x4] =	wrdreg $0xC0  }
0xab: {  	_ =	task [dreg:s7], $0x5FFFF  }
0xac: {  	[dreg:$0x1] =	wrdreg $0xFFFFFFFF  }
0xad: {  	[dreg:$0x0] =	wrdreg $0x60  }
0xae: {  	[dreg:$0x2] =	wrdreg s24  }
0xaf: {  	[dreg:$0x3] =	wrdreg s2  }
0xb0: {  	[dreg:$0x4] =	wrdreg $0xB7800  }
0xb1: {  	[dreg:$0x5] =	wrdreg $0x9  }
0xb2: {  	_ =	task.clear_ibuf [dreg:s7], $0x6FFFF;
	_ =	strace $0x90000049  }
0xb3: {  	s29 =	simm.s32 $0x9;
	_ =	strace $0x8000004B  }
0xb4: {  	_ =	swait.ge [sflag:s29], $0x1  }
0xb5: {  	[sflag:s29] =	ssyncadd.s32 $0xFFFFFFFF  }
0xb6: {  	_ =	strace $0x9000004B  }
0xb7: {  	_ =	sfence  }
0xb8: {  	s30 =	sld [smem:$0x0];
	_ =	sdelay $0x2  }
0xb9: {  	s31 =	sshll.u32 s1, $0xD;
	s1 =	sshrl.u32 s1, $0x2  }
0xba: {  	s3 =	sand.u32 $0x4000, s31;
	s1 =	sadd.s32 s1, s30  }
0xbb: {  	s0 =	sor.u32 s3, s0;
	s1 =	sshll.u32 s1, $0x11  }
0xbc: {  	s0 =	sor.u32 s1, s0  }
0xbd: {  	s0 =	sadd.s32 $0x8F2B, s0  }
0xbe: {  	[sflag:s0] =	ssyncadd.remote.s32 $0x1  }
0xbf: {  	_ =	sfence.sel $0xFFFF  }
0xc0: {  	[dreg:$0x0] =	wrdreg $0xFFFFFFFF;
	(pc) =	sbr.abs _section_cstart, $3  }
0xc1: {  	[dreg:$0x1] =	wrdreg $0xFFFFFFFF  }
0xc2: {  	_ =	task.clear_ibuf [dreg:s7], $0x2FFFF;
	_ =	strace $0x9FFFFFFF  }
0xc3: {  	(tm) =	ssettm $0x7FFFFFFF  }
tec
execute0_lowered:
.L_overlay_start_1:
0x0: {  	(tag) =	ssettag $0x1  }
0x1: {  	s0 =	rddreg [dreg:$0x0]  }
0x2: {  	s1 =	rddreg [dreg:$0x1];
	s3 =	srdreg.scid  }
0x3: {  	s14 =	stileid.u32;
	s2 =	rddreg [dreg:$0x2]  }
0x4: {  	s17 =	simm.s32 $0x28;
	s18 =	simm.s32 $0x6780;
	s19 =	simm.s32 $0x7B80  }
0x5: {  	s20 =	simm.s32 $0x50;
	s28 =	simm.s32 $0x4;
	s29 =	simm.s32 $0x5  }
0x6: {  	s30 =	simm.s32 $0x6;
	s31 =	simm.s32 $0x0;
	s7 =	sand.u32 $0x1, s3  }
0x7: {  	s4 =	sshll.u32 s14, $0x1;
	s3 =	simm.s32 $0x0;
	s9 =	smul.u32 $0x2700, s14  }
0x8: {  	s11 =	smul.u32 $0x4E000, s14;
	s16 =	sadd.s32 $0x138000, s2;
	p0 =	sne.s32 s14, $0xF  }
0x9: {  	s26 =	sshll.u32 s14, $0x6;
	s5 =	sor.u32 s7, s4;
	[smem:$0x7FF] =	sst s3  }
0xa: {  	s4 =	sadd.s32 $0x1BA00, s0;
	s21 =	ssub.s32 $0x2, s7;
	s22 =	smul.u32 $0x138800, s7  }
0xb: {  	s24 =	smul.u32 $0x27100, s7;
	s14 =	sor.u32 $0x1C07, s26;
	s16 =	sshrl.u32 @!p0 s16, $0x3  }
0xc: {  	s26 =	simm.s32 $0x3;
	s6 =	smul.u32 $0x4E2, s5;
	_ =	strace $0x8000004A  }
0xd: {  	s5 =	sshll.u32 s5, $0xB;
	s10 =	sshrl.u32 s21, $0x1;
	s23 =	sshrl.u32 s11, $0x2  }
0xe: {  	s7 =	sadd.s32 s1, s9;
	s8 =	sadd.s32 s5, s0;
	s12 =	ssub.s32 s21, s10  }
0xf: {  	s13 =	sadd.s32 s23, s2;
	s25 =	sshrl.u32 s22, $0x3;
	s9 =	sadd.s32 s9, s24  }
0x10: {  	s21 =	simm.s32 $0x8F80;
	s23 =	simm.s32 $0xA380;
	s24 =	simm.s32 $0x1  }
0x11: {  	s6 =	sadd.s32 s6, s0;
	s0 =	sadd.s32 $0x42C00, s0;
	s11 =	smax.u32 s12, $0x1  }
0x12: {  	s12 =	simm.s32 $0x7;
	s15 =	sshrl.u32 s13, $0x3;
	s5 =	sadd.s32 $0x1C00, s6  }
0x13: {  	s6 =	sadd.s32 $0xBA00, s8;
	s10 =	sadd.s32 s0, s25;
	s8 =	sadd.s32 $0x27000, s1  }
0x14: {  	s9 =	sadd.s32 s0, s9;
	s25 =	simm.s32 $0x2;
	s10 =	sadd.s32 $0x27000, s10  }
.LBB2_1:
0x15: {  	[tilespmem:s3], [sflag:$0x7] =	stream.linear.gather [hbm4b:s5+s3], $0x2710, $0x38;
	[tilespmem:$0x1F000] =	vst v63  }
0x16: {  	_ =	swait.ge [sflag:s12], $0x2710  }
0x17: {  	[sflag:s12] =	ssyncset.done $0x0  }
0x18: {  	s0 =	simm.s32 $0x2780;
	[sflag:s12] =	ssyncadd.s32 $0xFFFFD8F0  }
0x19: {  	[tilespmem:s0], [sflag:$0x7] =	stream.linear.gather [hbm4b:s6+s3], $0x3E80, $0x38;
	[tilespmem:$0x1F000] =	vst v63  }
0x1a: {  	_ =	swait.ge [sflag:s12], $0x3E80  }
0x1b: {  	[sflag:s12] =	ssyncset.done $0x0  }
0x1c: {  	[sflag:s12] =	ssyncadd.s32 $0xFFFFC180  }
0x1d: {  	[spmem:s15], [sflag:s14] =	dma.local [hbm:s7], $0x2700  }
0x1e: {  	_ =	swait.ge [sflag:s12], $0x2700  }
0x1f: {  	[sflag:s12] =	ssyncset.done $0x0  }
0x20: {  	s0 =	simm.s32 @!p0 $0x7;
	[sflag:s12] =	ssyncadd.s32 $0xFFFFD900  }
0x21: {  	[spmem:s16], [sflag:s14] =	dma.local @!p0 [hbm:s8], $0x100  }
0x22: {  	_ =	swait.ge @!p0 [sflag:s0], $0x100  }
0x23: {  	[sflag:s0] =	ssyncset.done @!p0 $0x0  }
0x24: {  	[sflag:s0] =	ssyncadd.s32 @!p0 $0xFFFFFF00  }
0x25: {  	[bflag:$0x0] =	sbarrier.arrive $0xFFFF  }
0x26: {  	[tilespmem:s18], [sflag:$0x1] =	stream.indirect.gather [hbm4b:s4+s17], $0x80, s3, s17, $0xb8;
	[tilespmem:$0x1F000] =	vst v63  }
0x27: {  	_ = 	snop  }
0x28: {  	[tilespmem:s19], [sflag:$0x2] =	stream.indirect.gather [hbm4b:s4+s17], $0x80, s17, s17, $0xb8;
	[tilespmem:$0x1F000] =	vst v63  }
0x29: {  	_ = 	snop  }
0x2a: {  	[tilespmem:s21], [sflag:$0x3] =	stream.indirect.gather [hbm4b:s4+s17], $0x80, s20, s17, $0xb8;
	[tilespmem:$0x1F000] =	vst v63  }
0x2b: {  	s1 =	simm.s32 $0x78  }
0x2c: {  	[tilespmem:s23], [sflag:$0x4] =	stream.indirect.gather [hbm4b:s4+s17], $0x80, s1, s17, $0xb8;
	[tilespmem:$0x1F000] =	vst v63  }
0x2d: {  	_ =	swait.ge [sflag:s24], $0x1400  }
0x2e: {  	[sflag:s24] =	ssyncset.done $0x0  }
0x2f: {  	[sflag:s24] =	ssyncadd.s32 $0xFFFFEC00  }
0x30: {  	_ =	swait.ge [sflag:s25], $0x1400  }
0x31: {  	[sflag:s25] =	ssyncset.done $0x0  }
0x32: {  	s13 =	simm.s32 $0x2780;
	[sflag:s25] =	ssyncadd.s32 $0xFFFFEC00  }
0x33: {  	[spmem:s2] =	stream.indirect.scatter.add.f32 [tilespmem:s18], [sflag:$0x5], $0x80, s13, s20, $0xb8;
	[tilespmem:$0x1F000] =	vst v63  }
0x34: {  	_ =	swait.ge [sflag:s26], $0x1400  }
0x35: {  	[sflag:s26] =	ssyncset.done $0x0  }
0x36: {  	[sflag:s26] =	ssyncadd.s32 $0xFFFFEC00  }
0x37: {  	_ =	swait.ge [sflag:s28], $0x1400  }
0x38: {  	[sflag:s28] =	ssyncset.done $0x0  }
0x39: {  	s22 =	simm.s32 $0x2800;
	[sflag:s28] =	ssyncadd.s32 $0xFFFFEC00  }
0x3a: {  	[spmem:s2] =	stream.indirect.scatter.add.f32 [tilespmem:s21], [sflag:$0x6], $0x80, s22, s20, $0xb8;
	[tilespmem:$0x1F000] =	vst v63  }
0x3b: {  	_ =	swait.ge [sflag:s29], $0x2800  }
0x3c: {  	[sflag:s29] =	ssyncset.done $0x0  }
0x3d: {  	s1 =	simm.s32 $0xA0;
	[sflag:s29] =	ssyncadd.s32 $0xFFFFD800  }
0x3e: {  	[tilespmem:s18], [sflag:$0x1] =	stream.indirect.gather [hbm4b:s4+s17], $0x80, s1, s17, $0xb8;
	[tilespmem:$0x1F000] =	vst v63  }
0x3f: {  	s13 =	simm.s32 $0xC8  }
0x40: {  	[tilespmem:s19], [sflag:$0x2] =	stream.indirect.gather [hbm4b:s4+s17], $0x80, s13, s17, $0xb8;
	[tilespmem:$0x1F000] =	vst v63  }
0x41: {  	_ =	swait.ge [sflag:s30], $0x2800  }
0x42: {  	s0 =	simm.s32 $0x2900;
	s22 =	simm.s32 $0xF0;
	[sflag:s30] =	ssyncset.done $0x0  }
0x43: {  	s1 =	simm.s32 $0x280;
	s13 =	simm.s32 $0x118;
	[sflag:s30] =	ssyncadd.s32 $0xFFFFD800  }
0x44: {  	[tilespmem:s21], [sflag:$0x3] =	stream.indirect.gather [hbm4b:s4+s17], $0x80, s22, s17, $0xb8;
	[tilespmem:$0x1F000] =	vst v63  }
.LBB2_2:
0x45: {  	[tilespmem:s23], [sflag:$0x4] =	stream.indirect.gather [hbm4b:s4+s17], $0x80, s13, s17, $0xb8;
	[tilespmem:$0x1F000] =	vst v63  }
0x46: {  	s13 =	smov.u32 s1  }
0x47: {  	p1 =	sne.s32 s1, $0x9600;
	s1 =	sadd.s32 $0x280, s1;
	_ =	swait.ge [sflag:s24], $0x1400  }
0x48: {  	[sflag:s24] =	ssyncset.done $0x0  }
0x49: {  	[sflag:s24] =	ssyncadd.s32 $0xFFFFEC00  }
0x4a: {  	_ =	swait.ge [sflag:s25], $0x1400  }
0x4b: {  	[sflag:s25] =	ssyncset.done $0x0  }
0x4c: {  	s22 =	sadd.s32 $0xFFFFFF80, s0;
	[sflag:s25] =	ssyncadd.s32 $0xFFFFEC00  }
0x4d: {  	[spmem:s2] =	stream.indirect.scatter.add.f32 [tilespmem:s18], [sflag:$0x5], $0x80, s22, s20, $0xb8;
	[tilespmem:$0x1F000] =	vst v63  }
0x4e: {  	_ =	swait.ge [sflag:s26], $0x1400  }
0x4f: {  	[sflag:s26] =	ssyncset.done $0x0  }
0x50: {  	[sflag:s26] =	ssyncadd.s32 $0xFFFFEC00  }
0x51: {  	_ =	swait.ge [sflag:s28], $0x1400  }
0x52: {  	[sflag:s28] =	ssyncset.done $0x0  }
0x53: {  	[sflag:s28] =	ssyncadd.s32 $0xFFFFEC00  }
0x54: {  	[spmem:s2] =	stream.indirect.scatter.add.f32 [tilespmem:s21], [sflag:$0x6], $0x80, s0, s20, $0xb8;
	[tilespmem:$0x1F000] =	vst v63  }
0x55: {  	_ =	swait.ge [sflag:s29], $0x2800  }
0x56: {  	s13 =	sshra.s32 s13, $0x2;
	[sflag:s29] =	ssyncset.done $0x0  }
0x57: {  	s22 =	sadd.s32 $0xA0, s13;
	[sflag:s29] =	ssyncadd.s32 $0xFFFFD800  }
0x58: {  	[tilespmem:s18], [sflag:$0x1] =	stream.indirect.gather [hbm4b:s4+s17], $0x80, s22, s17, $0xb8;
	[tilespmem:$0x1F000] =	vst v63  }
0x59: {  	s22 =	sadd.s32 $0xC8, s13  }
0x5a: {  	[tilespmem:s19], [sflag:$0x2] =	stream.indirect.gather [hbm4b:s4+s17], $0x80, s22, s17, $0xb8;
	[tilespmem:$0x1F000] =	vst v63  }
.Ltmp0:
0x5b: {  	_ =	swait.ge [sflag:s30], $0x2800;
	(pc) =	sbr.rel @p1 .LBB2_2-.Ltmp0, $4  }
0x5c: {  	[sflag:s30] =	ssyncset.done $0x0  }
0x5d: {  	s22 =	sadd.s32 $0xF0, s13;
	[sflag:s30] =	ssyncadd.s32 $0xFFFFD800  }
0x5e: {  	[tilespmem:s21], [sflag:$0x3] =	stream.indirect.gather [hbm4b:s4+s17], $0x80, s22, s17, $0xb8;
	[tilespmem:$0x1F000] =	vst v63  }
0x5f: {  	s0 =	sadd.s32 $0x100, s0;
	s13 =	sadd.s32 $0x118, s13  }
0x60: {  	[tilespmem:s23], [sflag:$0x4] =	stream.indirect.gather [hbm4b:s4+s17], $0x80, s13, s17, $0xb8;
	[tilespmem:$0x1F000] =	vst v63  }
0x61: {  	_ =	swait.ge [sflag:s24], $0x1400  }
0x62: {  	[sflag:s24] =	ssyncset.done $0x0  }
0x63: {  	[sflag:s24] =	ssyncadd.s32 $0xFFFFEC00  }
0x64: {  	_ =	swait.ge [sflag:s25], $0x1400  }
0x65: {  	[sflag:s25] =	ssyncset.done $0x0  }
0x66: {  	s0 =	simm.s32 $0x6480;
	[sflag:s25] =	ssyncadd.s32 $0xFFFFEC00  }
0x67: {  	[spmem:s2] =	stream.indirect.scatter.add.f32 [tilespmem:s18], [sflag:$0x5], $0x80, s0, s20, $0xb8;
	[tilespmem:$0x1F000] =	vst v63  }
0x68: {  	_ =	swait.ge [sflag:s26], $0x1400  }
0x69: {  	[sflag:s26] =	ssyncset.done $0x0  }
0x6a: {  	[sflag:s26] =	ssyncadd.s32 $0xFFFFEC00  }
0x6b: {  	_ =	swait.ge [sflag:s28], $0x1400  }
0x6c: {  	[sflag:s28] =	ssyncset.done $0x0  }
0x6d: {  	s22 =	simm.s32 $0x6500;
	[sflag:s28] =	ssyncadd.s32 $0xFFFFEC00  }
0x6e: {  	[spmem:s2] =	stream.indirect.scatter.add.f32 [tilespmem:s21], [sflag:$0x6], $0x80, s22, s20, $0xb8;
	[tilespmem:$0x1F000] =	vst v63  }
0x6f: {  	_ =	swait.ge [sflag:s29], $0x2800  }
0x70: {  	[sflag:s29] =	ssyncset.done $0x0  }
0x71: {  	s1 =	simm.s32 $0x26C0;
	[sflag:s29] =	ssyncadd.s32 $0xFFFFD800  }
0x72: {  	[tilespmem:s18], [sflag:$0x1] =	stream.indirect.gather [hbm4b:s4+s17], $0x80, s1, s17, $0xb8;
	[tilespmem:$0x1F000] =	vst v63  }
0x73: {  	s13 =	simm.s32 $0x26E8  }
0x74: {  	[tilespmem:s19], [sflag:$0x2] =	stream.indirect.gather [hbm4b:s4+s17], $0x80, s13, s17, $0xb8;
	[tilespmem:$0x1F000] =	vst v63  }
0x75: {  	_ =	swait.ge [sflag:s24], $0x1400  }
0x76: {  	[sflag:s24] =	ssyncset.done $0x0  }
0x77: {  	[sflag:s24] =	ssyncadd.s32 $0xFFFFEC00  }
0x78: {  	_ =	swait.ge [sflag:s25], $0x1400  }
0x79: {  	[sflag:s25] =	ssyncset.done $0x0  }
0x7a: {  	s22 =	simm.s32 $0x6580;
	[sflag:s25] =	ssyncadd.s32 $0xFFFFEC00  }
0x7b: {  	[spmem:s2] =	stream.indirect.scatter.add.f32 [tilespmem:s18], [sflag:$0x5], $0x80, s22, s20, $0xb8;
	[tilespmem:$0x1F000] =	vst v63  }
0x7c: {  	_ =	swait.ge [sflag:s30], $0x2800  }
0x7d: {  	[sflag:s30] =	ssyncset.done $0x0  }
0x7e: {  	[sflag:s30] =	ssyncadd.s32 $0xFFFFD800  }
0x7f: {  	_ =	swait.ge [sflag:s29], $0x2800  }
0x80: {  	[sflag:s29] =	ssyncset.done $0x0  }
0x81: {  	[sflag:s29] =	ssyncadd.s32 $0xFFFFD800  }
0x82: {  	[bflag:$0x0] =	sbarrier.arrive $0xFFFF  }
0x83: {  	[hbm:s9], [sflag:s14] =	dma.local [spmem:s15], $0x2700  }
0x84: {  	s31 =	sadd.s32 $0x1, s31;
	_ =	swait.ge [sflag:s12], $0x2700  }
0x85: {  	p1 =	sne.s32 s31, s11;
	[sflag:s12] =	ssyncset.done $0x0  }
.Ltmp1:
0x86: {  	s0 =	simm.s32 @!p0 $0x7;
	[sflag:s12] =	ssyncadd.s32 $0xFFFFD900;
	(pc) =	sbr.rel @p1 .LBB2_1-.Ltmp1, $4  }
0x87: {  	[hbm:s10], [sflag:s14] =	dma.local @!p0 [spmem:s16], $0x100  }
0x88: {  	_ =	swait.ge @!p0 [sflag:s0], $0x100  }
0x89: {  	[sflag:s0] =	ssyncset.done @!p0 $0x0  }
0x8a: {  	[sflag:s0] =	ssyncadd.s32 @!p0 $0xFFFFFF00  }
0x8b: {  	_ =	sfence.sel $0x180000  }
0x8c: {  	[bflag:$0x0] =	sbarrier.arrive $0xFFFF  }
0x8d: {  	_ =	strace $0x9000004A  }
0x8e: {  	s0 =	stileid.u32;
	[bflag:$0x2] =	sbarrier.arrive $0xFFFF  }
0x8f: {  	p0 =	sne.s32 s0, $0x0;
	s0 =	rddreg [dreg:$0x3]  }
0x90: {  	s0 =	sadd.s32 @!p0 $0x100000, s0  }
0x91: {  	[sflag:s0] =	ssyncadd.tile.s32 @!p0 $0x1;
	_ =	shalt  }
.Lfunc_end2:
_tile_overlayer_lowered:
.L_overlay_start_2:
0x92: {  	(tag) =	ssettag $0x2  }
0x93: {  	s0 =	rddreg [dreg:$0x0];
	s2 =	stileid.u32  }
0x94: {  	s1 =	rddreg [dreg:$0x1];
	p0 =	sne.s32 s2, $0x0  }
0x95: {  	s3 =	rddreg [dreg:$0x2];
	[bflag:$0x3] =	sbarrier.arrive $0xFFFF;
	s2 =	simm.s32 @!p0 $0x1C07  }
0x96: {  	[timem:s3], [sflag:s2] =	dma.local @!p0 [hbm:s0], s1  }
0x97: {  	s0 =	simm.s32 @!p0 $0x7  }
0x98: {  	_ =	swait.ge @!p0 [sflag:s0], s1  }
0x99: {  	s1 =	ssub.s32 @!p0 $0x0, s1;
	[sflag:s0] =	ssyncset.done @!p0 $0x0  }
0x9a: {  	[sflag:s0] =	ssyncadd.s32 @!p0 s1  }
0x9b: {  	[bflag:$0x3] =	sbarrier.arrive $0xFFFF  }
0x9c: {  	_ =	shalt  }

</sc_bundles>
